<compile_context>
chip_gen: v7x
topology: tpu7x:2x2x1
jax: 0.10.2.dev20260603
libtpu: 0.0.44.dev20260713+nightly
codegen_flags: <defaults>
</compile_context>

<pallas_src>
import dataclasses

import jax
import jax.numpy as jnp
from jax import lax
from jax.experimental import pallas as pl
from jax.experimental.pallas import tpu as pltpu
from jax.experimental.pallas import tpu_sc as plsc

N = 100000
NC, NS, L = 2, 16, 16
NW = NC * NS
VECS = N // L
MAIN_VECS = VECS // NW
CHUNK = MAIN_VECS * L
TAIL_VECS = VECS - MAIN_VECS * NW
TAIL_BASE = NW * CHUNK
TBL = 112

_mesh = plsc.VectorSubcoreMesh(
    core_axis_name="c", subcore_axis_name="s", num_cores=NC, num_subcores=NS
)

_cp = pltpu.CompilerParams()
if "needs_layout_passes" in pltpu.CompilerParams.__dataclass_fields__:
    _cp = dataclasses.replace(_cp, needs_layout_passes=False)


def _body(
    elems_hbm,
    energy_hbm,
    scales_hbm,
    shifts_hbm,
    lookup_hbm,
    out_hbm,
    elems_v,
    energy_v,
    out_v,
    lookup_v,
    scale_t,
    shift_t,
    cs_v,
    cb_v,
    te_i,
    te_f,
    to_f,
    sem_tbl,
    sem_in,
    sem_tail,
    sem_out,
):
    wid = lax.axis_index("c") * NS + lax.axis_index("s")
    base = pl.multiple_of(wid * CHUNK, 16)
    is_tail = wid < TAIL_VECS
    tb = pl.multiple_of(TAIL_BASE + wid * L, 16)

    lookup_v[pl.ds(TBL - L, L)] = jnp.zeros((L,), jnp.int32)

    pltpu.async_copy(lookup_hbm, lookup_v.at[pl.ds(0, 100)], sem_tbl)
    pltpu.async_copy(scales_hbm, scale_t.at[pl.ds(0, 99)], sem_tbl)
    pltpu.async_copy(shifts_hbm, shift_t.at[pl.ds(0, 99)], sem_tbl)
    pltpu.async_copy(elems_hbm.at[pl.ds(base, CHUNK)], elems_v, sem_in)
    pltpu.async_copy(energy_hbm.at[pl.ds(base, CHUNK)], energy_v, sem_in)

    @pl.when(is_tail)
    def _():
        pltpu.async_copy(elems_hbm.at[pl.ds(tb, L)], te_i, sem_tail)
        pltpu.async_copy(energy_hbm.at[pl.ds(tb, L)], te_f, sem_tail)

    pltpu.make_async_copy(lookup_hbm, lookup_v.at[pl.ds(0, 100)], sem_tbl).wait()
    pltpu.make_async_copy(scales_hbm, scale_t.at[pl.ds(0, 99)], sem_tbl).wait()
    pltpu.make_async_copy(shifts_hbm, shift_t.at[pl.ds(0, 99)], sem_tbl).wait()
    for e0 in range(0, TBL, L):
        lv = lookup_v[pl.ds(e0, L)]
        cs_v[pl.ds(e0, L)] = plsc.load_gather(scale_t, [lv])
        cb_v[pl.ds(e0, L)] = plsc.load_gather(shift_t, [lv])

    pltpu.make_async_copy(elems_hbm.at[pl.ds(base, CHUNK)], elems_v, sem_in).wait()
    pltpu.make_async_copy(energy_hbm.at[pl.ds(base, CHUNK)], energy_v, sem_in).wait()

    @pl.loop(0, MAIN_VECS, unroll=13)
    def _(i):
        o = i * L
        ev = elems_v[pl.ds(o, L)]
        en = energy_v[pl.ds(o, L)]
        out_v[pl.ds(o, L)] = (
            en * plsc.load_gather(cs_v, [ev]) + plsc.load_gather(cb_v, [ev])
        )

    pltpu.async_copy(out_v, out_hbm.at[pl.ds(base, CHUNK)], sem_out)

    @pl.when(is_tail)
    def _():
        pltpu.make_async_copy(elems_hbm.at[pl.ds(tb, L)], te_i, sem_tail).wait()
        pltpu.make_async_copy(energy_hbm.at[pl.ds(tb, L)], te_f, sem_tail).wait()
        ev = te_i[...]
        to_f[...] = (
            te_f[...] * plsc.load_gather(cs_v, [ev])
            + plsc.load_gather(cb_v, [ev])
        )
        pltpu.sync_copy(to_f, out_hbm.at[pl.ds(tb, L)])

    pltpu.make_async_copy(out_v, out_hbm.at[pl.ds(base, CHUNK)], sem_out).wait()


def kernel(elems, atomic_energy, scales, shifts, elem_lookup):
    k = pl.kernel(
        _body,
        out_type=jax.ShapeDtypeStruct((N,), jnp.float32),
        mesh=_mesh,
        compiler_params=_cp,
        scratch_types=[
            pltpu.VMEM((CHUNK,), jnp.int32),
            pltpu.VMEM((CHUNK,), jnp.float32),
            pltpu.VMEM((CHUNK,), jnp.float32),
            pltpu.VMEM((TBL,), jnp.int32),
            pltpu.VMEM((TBL,), jnp.float32),
            pltpu.VMEM((TBL,), jnp.float32),
            pltpu.VMEM((TBL,), jnp.float32),
            pltpu.VMEM((TBL,), jnp.float32),
            pltpu.VMEM((L,), jnp.int32),
            pltpu.VMEM((L,), jnp.float32),
            pltpu.VMEM((L,), jnp.float32),
            pltpu.SemaphoreType.DMA,
            pltpu.SemaphoreType.DMA,
            pltpu.SemaphoreType.DMA,
            pltpu.SemaphoreType.DMA,
        ],
    )
    return k(elems, atomic_energy, scales, shifts, elem_lookup)

# --- scband reference (transcript-rebuilt; emitter-appended) ---
"""Pipeline reference for scband-per-species-scale-shift-21354577395842 (READ-ONLY COPY).

The authoritative reference and input builder live on the scoring server;
editing this copy changes nothing except your own understanding.
"""

import jax, jax.numpy as jnp
import numpy as np

N_ATOMS = 100000
SPECIES = jnp.sort(jnp.arange(1, 100, dtype=jnp.int32))


def setup_inputs(seed: int = 0) -> dict:
    key = jax.random.key(seed)
    k1, k2 = jax.random.split(key, 2)
    # buffer: elem_lookup maps atomic number -> compact species index
    elem_lookup = jnp.zeros(100, dtype=jnp.int32)
    elem_lookup = elem_lookup.at[SPECIES].set(jnp.arange(SPECIES.shape[0], dtype=jnp.int32))
    # forward inputs
    elems = jax.random.randint(k1, (N_ATOMS,), 0, 100, dtype=jnp.int32)
    atomic_energy = jax.random.normal(k2, (N_ATOMS,), dtype=jnp.float32)
    # learned parameters (init: scales=1, shifts=0)
    scales = jnp.ones(SPECIES.shape[0], dtype=jnp.float32)
    shifts = jnp.zeros(SPECIES.shape[0], dtype=jnp.float32)
    return {
        "elems": elems,
        "atomic_energy": atomic_energy,
        "scales": scales,
        "shifts": shifts,
        "elem_lookup": elem_lookup,
    }


def reference(elems, atomic_energy, scales, shifts, elem_lookup):
    # idx = self.elem_lookup[species]
    idx = jnp.take(elem_lookup, elems, axis=0)
    # atomic_energy = atomic_energy * self.scales[idx] + self.shifts[idx]
    out = atomic_energy * jnp.take(scales, idx, axis=0) + jnp.take(shifts, idx, axis=0)
    return out

if __name__ == "__main__":
    import jax
    _d = setup_inputs()
    print(jax.jit(kernel)(*tuple(_d.values())))

</pallas_src>

<mosaic_0001>
#map = affine_map<(d0, d1) -> (0)>
module attributes {stable_mosaic.version = 14 : i64} {
  func.func @_body(%arg0: i32, %arg1: i32, %arg2: memref<100000xi32, #tpu.memory_space<hbm>>, %arg3: memref<100000xf32, #tpu.memory_space<hbm>>, %arg4: memref<99xf32, #tpu.memory_space<hbm>>, %arg5: memref<99xf32, #tpu.memory_space<hbm>>, %arg6: memref<100xi32, #tpu.memory_space<hbm>>, %arg7: memref<100000xf32, #tpu.memory_space<hbm>>, %arg8: memref<3120xi32, #tpu.memory_space<vmem>>, %arg9: memref<3120xf32, #tpu.memory_space<vmem>>, %arg10: memref<3120xf32, #tpu.memory_space<vmem>>, %arg11: memref<112xi32, #tpu.memory_space<vmem>>, %arg12: memref<112xf32, #tpu.memory_space<vmem>>, %arg13: memref<112xf32, #tpu.memory_space<vmem>>, %arg14: memref<112xf32, #tpu.memory_space<vmem>>, %arg15: memref<112xf32, #tpu.memory_space<vmem>>, %arg16: memref<16xi32, #tpu.memory_space<vmem>>, %arg17: memref<16xf32, #tpu.memory_space<vmem>>, %arg18: memref<16xf32, #tpu.memory_space<vmem>>, %arg19: memref<!tpu.dma_semaphore, #tpu.memory_space<semaphore_mem>>, %arg20: memref<!tpu.dma_semaphore, #tpu.memory_space<semaphore_mem>>, %arg21: memref<!tpu.dma_semaphore, #tpu.memory_space<semaphore_mem>>, %arg22: memref<!tpu.dma_semaphore, #tpu.memory_space<semaphore_mem>>) attributes {dimension_semantics = [#tpu.dimension_semantics<core_parallel>, #tpu.dimension_semantics<subcore_parallel>], iteration_bounds = array<i64: 2, 16>, scalar_prefetch = 0 : i64, scratch_operands = 15 : i64, tpu.core_type = #tpu.core_type<sc_vector_subcore>, window_params = [{transform_indices = #map}, {transform_indices = #map}, {transform_indices = #map}, {transform_indices = #map}, {transform_indices = #map}, {transform_indices = #map}]} {
    %mul3A = arith.constant 16 : i32
    %mul3A_0 = arith.muli %arg0, %mul3A : i32
    %add3A = arith.addi %mul3A_0, %arg1 : i32
    %mul3A_1 = arith.constant 3120 : i32
    %mul3A_2 = arith.muli %add3A, %mul3A_1 : i32
    %multiple_of3A = tpu.assume_multiple %mul3A_2, 16 : i32
    %lt3A = arith.constant 10 : i32
    %lt3A_3 = arith.cmpi slt, %add3A, %lt3A : i32
    %mul3A_4 = arith.constant 16 : i32
    %mul3A_5 = arith.muli %add3A, %mul3A_4 : i32
    %add3A_6 = arith.constant 99840 : i32
    %add3A_7 = arith.addi %add3A_6, %mul3A_5 : i32
    %multiple_of3A_8 = tpu.assume_multiple %add3A_7, 16 : i32
    %broadcast_in_dim3A = arith.constant 0 : i32
    %broadcast_in_dim3A_9 = vector.broadcast %broadcast_in_dim3A : i32 to vector<16xi32>
    %swap3A = arith.constant 96 : index
    %swap3A_10 = tpu.vector_load %arg11[%swap3A] {strides = array<i32>} : memref<112xi32, #tpu.memory_space<vmem>>, vector<16xi32>,
    tpu.vector_store %arg11[%swap3A], %broadcast_in_dim3A_9 {strides = array<i32>} : memref<112xi32, #tpu.memory_space<vmem>>, vector<16xi32>,
    %dma_start3A = arith.constant 0 : i32
    %dma_start3A_11 = tpu.memref_slice %arg11[%dma_start3A] : memref<112xi32, #tpu.memory_space<vmem>> -> memref<100xi32, #tpu.memory_space<vmem>>
    %dma_start3A_12 = arith.constant 0 : i32
    %dma_start3A_13 = tpu.memref_slice %arg11[%dma_start3A_12] : memref<112xi32, #tpu.memory_space<vmem>> -> memref<100xi32, #tpu.memory_space<vmem>>
    tpu.enqueue_dma source(%arg6 : memref<100xi32, #tpu.memory_space<hbm>>) target(%dma_start3A_13 : memref<100xi32, #tpu.memory_space<vmem>>) target_semaphore(%arg19 : memref<!tpu.dma_semaphore, #tpu.memory_space<semaphore_mem>>)
    %dma_start3A_14 = arith.constant 0 : i32
    %dma_start3A_15 = tpu.memref_slice %arg12[%dma_start3A_14] : memref<112xf32, #tpu.memory_space<vmem>> -> memref<99xf32, #tpu.memory_space<vmem>>
    %dma_start3A_16 = arith.constant 0 : i32
    %dma_start3A_17 = tpu.memref_slice %arg12[%dma_start3A_16] : memref<112xf32, #tpu.memory_space<vmem>> -> memref<99xf32, #tpu.memory_space<vmem>>
    tpu.enqueue_dma source(%arg4 : memref<99xf32, #tpu.memory_space<hbm>>) target(%dma_start3A_17 : memref<99xf32, #tpu.memory_space<vmem>>) target_semaphore(%arg19 : memref<!tpu.dma_semaphore, #tpu.memory_space<semaphore_mem>>)
    %dma_start3A_18 = arith.constant 0 : i32
    %dma_start3A_19 = tpu.memref_slice %arg13[%dma_start3A_18] : memref<112xf32, #tpu.memory_space<vmem>> -> memref<99xf32, #tpu.memory_space<vmem>>
    %dma_start3A_20 = arith.constant 0 : i32
    %dma_start3A_21 = tpu.memref_slice %arg13[%dma_start3A_20] : memref<112xf32, #tpu.memory_space<vmem>> -> memref<99xf32, #tpu.memory_space<vmem>>
    tpu.enqueue_dma source(%arg5 : memref<99xf32, #tpu.memory_space<hbm>>) target(%dma_start3A_21 : memref<99xf32, #tpu.memory_space<vmem>>) target_semaphore(%arg19 : memref<!tpu.dma_semaphore, #tpu.memory_space<semaphore_mem>>)
    %dma_start3A_22 = tpu.memref_slice %arg2[%multiple_of3A] : memref<100000xi32, #tpu.memory_space<hbm>> -> memref<3120xi32, #tpu.memory_space<hbm>>
    %dma_start3A_23 = tpu.memref_slice %arg2[%multiple_of3A] : memref<100000xi32, #tpu.memory_space<hbm>> -> memref<3120xi32, #tpu.memory_space<hbm>>
    tpu.enqueue_dma source(%dma_start3A_23 : memref<3120xi32, #tpu.memory_space<hbm>>) target(%arg8 : memref<3120xi32, #tpu.memory_space<vmem>>) target_semaphore(%arg20 : memref<!tpu.dma_semaphore, #tpu.memory_space<semaphore_mem>>)
    %dma_start3A_24 = tpu.memref_slice %arg3[%multiple_of3A] : memref<100000xf32, #tpu.memory_space<hbm>> -> memref<3120xf32, #tpu.memory_space<hbm>>
    %dma_start3A_25 = tpu.memref_slice %arg3[%multiple_of3A] : memref<100000xf32, #tpu.memory_space<hbm>> -> memref<3120xf32, #tpu.memory_space<hbm>>
    tpu.enqueue_dma source(%dma_start3A_25 : memref<3120xf32, #tpu.memory_space<hbm>>) target(%arg9 : memref<3120xf32, #tpu.memory_space<vmem>>) target_semaphore(%arg20 : memref<!tpu.dma_semaphore, #tpu.memory_space<semaphore_mem>>)
    %convert_element_type3A = arith.extui %lt3A_3 : i1 to i32
    %cond3A = arith.constant 0 : i32
    %cond3A_26 = arith.cmpi ne, %convert_element_type3A, %cond3A : i32
    scf.if %cond3A_26 {
      %dma_start3A_107 = tpu.memref_slice %arg2[%multiple_of3A_8] : memref<100000xi32, #tpu.memory_space<hbm>> -> memref<16xi32, #tpu.memory_space<hbm>>
      %dma_start3A_108 = tpu.memref_slice %arg2[%multiple_of3A_8] : memref<100000xi32, #tpu.memory_space<hbm>> -> memref<16xi32, #tpu.memory_space<hbm>>
      tpu.enqueue_dma source(%dma_start3A_108 : memref<16xi32, #tpu.memory_space<hbm>>) target(%arg16 : memref<16xi32, #tpu.memory_space<vmem>>) target_semaphore(%arg21 : memref<!tpu.dma_semaphore, #tpu.memory_space<semaphore_mem>>)
      %dma_start3A_109 = tpu.memref_slice %arg3[%multiple_of3A_8] : memref<100000xf32, #tpu.memory_space<hbm>> -> memref<16xf32, #tpu.memory_space<hbm>>
      %dma_start3A_110 = tpu.memref_slice %arg3[%multiple_of3A_8] : memref<100000xf32, #tpu.memory_space<hbm>> -> memref<16xf32, #tpu.memory_space<hbm>>
      tpu.enqueue_dma source(%dma_start3A_110 : memref<16xf32, #tpu.memory_space<hbm>>) target(%arg17 : memref<16xf32, #tpu.memory_space<vmem>>) target_semaphore(%arg21 : memref<!tpu.dma_semaphore, #tpu.memory_space<semaphore_mem>>)
    } else {
    }
    %dma_wait3A = arith.constant 0 : i32
    %dma_wait3A_27 = tpu.memref_slice %arg11[%dma_wait3A] : memref<112xi32, #tpu.memory_space<vmem>> -> memref<100xi32, #tpu.memory_space<vmem>>
    %dma_wait3A_28 = arith.constant 0 : i32
    %dma_wait3A_29 = tpu.memref_slice %arg11[%dma_wait3A_28] : memref<112xi32, #tpu.memory_space<vmem>> -> memref<100xi32, #tpu.memory_space<vmem>>
    tpu.wait_dma2 semaphore(%arg19 : memref<!tpu.dma_semaphore, #tpu.memory_space<semaphore_mem>>) src(%arg6 : memref<100xi32, #tpu.memory_space<hbm>>) dst(%dma_wait3A_29 : memref<100xi32, #tpu.memory_space<vmem>>)
    %dma_wait3A_30 = arith.constant 0 : i32
    %dma_wait3A_31 = tpu.memref_slice %arg12[%dma_wait3A_30] : memref<112xf32, #tpu.memory_space<vmem>> -> memref<99xf32, #tpu.memory_space<vmem>>
    %dma_wait3A_32 = arith.constant 0 : i32
    %dma_wait3A_33 = tpu.memref_slice %arg12[%dma_wait3A_32] : memref<112xf32, #tpu.memory_space<vmem>> -> memref<99xf32, #tpu.memory_space<vmem>>
    tpu.wait_dma2 semaphore(%arg19 : memref<!tpu.dma_semaphore, #tpu.memory_space<semaphore_mem>>) src(%arg4 : memref<99xf32, #tpu.memory_space<hbm>>) dst(%dma_wait3A_33 : memref<99xf32, #tpu.memory_space<vmem>>)
    %dma_wait3A_34 = arith.constant 0 : i32
    %dma_wait3A_35 = tpu.memref_slice %arg13[%dma_wait3A_34] : memref<112xf32, #tpu.memory_space<vmem>> -> memref<99xf32, #tpu.memory_space<vmem>>
    %dma_wait3A_36 = arith.constant 0 : i32
    %dma_wait3A_37 = tpu.memref_slice %arg13[%dma_wait3A_36] : memref<112xf32, #tpu.memory_space<vmem>> -> memref<99xf32, #tpu.memory_space<vmem>>
    tpu.wait_dma2 semaphore(%arg19 : memref<!tpu.dma_semaphore, #tpu.memory_space<semaphore_mem>>) src(%arg5 : memref<99xf32, #tpu.memory_space<hbm>>) dst(%dma_wait3A_37 : memref<99xf32, #tpu.memory_space<vmem>>)
    %get3A = arith.constant 0 : index
    %get3A_38 = tpu.vector_load %arg11[%get3A] {strides = array<i32>} : memref<112xi32, #tpu.memory_space<vmem>>, vector<16xi32>,
    %gather3A = tpu.vector_load_idx %arg12[%get3A_38] : memref<112xf32, #tpu.memory_space<vmem>>[vector<16xi32>], vector<16xf32>,
    %swap3A_39 = arith.constant 0 : index
    %swap3A_40 = tpu.vector_load %arg14[%swap3A_39] {strides = array<i32>} : memref<112xf32, #tpu.memory_space<vmem>>, vector<16xf32>,
    tpu.vector_store %arg14[%swap3A_39], %gather3A {strides = array<i32>} : memref<112xf32, #tpu.memory_space<vmem>>, vector<16xf32>,
    %gather3A_41 = tpu.vector_load_idx %arg13[%get3A_38] : memref<112xf32, #tpu.memory_space<vmem>>[vector<16xi32>], vector<16xf32>,
    %swap3A_42 = arith.constant 0 : index
    %swap3A_43 = tpu.vector_load %arg15[%swap3A_42] {strides = array<i32>} : memref<112xf32, #tpu.memory_space<vmem>>, vector<16xf32>,
    tpu.vector_store %arg15[%swap3A_42], %gather3A_41 {strides = array<i32>} : memref<112xf32, #tpu.memory_space<vmem>>, vector<16xf32>,
    %get3A_44 = arith.constant 16 : index
    %get3A_45 = tpu.vector_load %arg11[%get3A_44] {strides = array<i32>} : memref<112xi32, #tpu.memory_space<vmem>>, vector<16xi32>,
    %gather3A_46 = tpu.vector_load_idx %arg12[%get3A_45] : memref<112xf32, #tpu.memory_space<vmem>>[vector<16xi32>], vector<16xf32>,
    %swap3A_47 = arith.constant 16 : index
    %swap3A_48 = tpu.vector_load %arg14[%swap3A_47] {strides = array<i32>} : memref<112xf32, #tpu.memory_space<vmem>>, vector<16xf32>,
    tpu.vector_store %arg14[%swap3A_47], %gather3A_46 {strides = array<i32>} : memref<112xf32, #tpu.memory_space<vmem>>, vector<16xf32>,
    %gather3A_49 = tpu.vector_load_idx %arg13[%get3A_45] : memref<112xf32, #tpu.memory_space<vmem>>[vector<16xi32>], vector<16xf32>,
    %swap3A_50 = arith.constant 16 : index
    %swap3A_51 = tpu.vector_load %arg15[%swap3A_50] {strides = array<i32>} : memref<112xf32, #tpu.memory_space<vmem>>, vector<16xf32>,
    tpu.vector_store %arg15[%swap3A_50], %gather3A_49 {strides = array<i32>} : memref<112xf32, #tpu.memory_space<vmem>>, vector<16xf32>,
    %get3A_52 = arith.constant 32 : index
    %get3A_53 = tpu.vector_load %arg11[%get3A_52] {strides = array<i32>} : memref<112xi32, #tpu.memory_space<vmem>>, vector<16xi32>,
    %gather3A_54 = tpu.vector_load_idx %arg12[%get3A_53] : memref<112xf32, #tpu.memory_space<vmem>>[vector<16xi32>], vector<16xf32>,
    %swap3A_55 = arith.constant 32 : index
    %swap3A_56 = tpu.vector_load %arg14[%swap3A_55] {strides = array<i32>} : memref<112xf32, #tpu.memory_space<vmem>>, vector<16xf32>,
    tpu.vector_store %arg14[%swap3A_55], %gather3A_54 {strides = array<i32>} : memref<112xf32, #tpu.memory_space<vmem>>, vector<16xf32>,
    %gather3A_57 = tpu.vector_load_idx %arg13[%get3A_53] : memref<112xf32, #tpu.memory_space<vmem>>[vector<16xi32>], vector<16xf32>,
    %swap3A_58 = arith.constant 32 : index
    %swap3A_59 = tpu.vector_load %arg15[%swap3A_58] {strides = array<i32>} : memref<112xf32, #tpu.memory_space<vmem>>, vector<16xf32>,
    tpu.vector_store %arg15[%swap3A_58], %gather3A_57 {strides = array<i32>} : memref<112xf32, #tpu.memory_space<vmem>>, vector<16xf32>,
    %get3A_60 = arith.constant 48 : index
    %get3A_61 = tpu.vector_load %arg11[%get3A_60] {strides = array<i32>} : memref<112xi32, #tpu.memory_space<vmem>>, vector<16xi32>,
    %gather3A_62 = tpu.vector_load_idx %arg12[%get3A_61] : memref<112xf32, #tpu.memory_space<vmem>>[vector<16xi32>], vector<16xf32>,
    %swap3A_63 = arith.constant 48 : index
    %swap3A_64 = tpu.vector_load %arg14[%swap3A_63] {strides = array<i32>} : memref<112xf32, #tpu.memory_space<vmem>>, vector<16xf32>,
    tpu.vector_store %arg14[%swap3A_63], %gather3A_62 {strides = array<i32>} : memref<112xf32, #tpu.memory_space<vmem>>, vector<16xf32>,
    %gather3A_65 = tpu.vector_load_idx %arg13[%get3A_61] : memref<112xf32, #tpu.memory_space<vmem>>[vector<16xi32>], vector<16xf32>,
    %swap3A_66 = arith.constant 48 : index
    %swap3A_67 = tpu.vector_load %arg15[%swap3A_66] {strides = array<i32>} : memref<112xf32, #tpu.memory_space<vmem>>, vector<16xf32>,
    tpu.vector_store %arg15[%swap3A_66], %gather3A_65 {strides = array<i32>} : memref<112xf32, #tpu.memory_space<vmem>>, vector<16xf32>,
    %get3A_68 = arith.constant 64 : index
    %get3A_69 = tpu.vector_load %arg11[%get3A_68] {strides = array<i32>} : memref<112xi32, #tpu.memory_space<vmem>>, vector<16xi32>,
    %gather3A_70 = tpu.vector_load_idx %arg12[%get3A_69] : memref<112xf32, #tpu.memory_space<vmem>>[vector<16xi32>], vector<16xf32>,
    %swap3A_71 = arith.constant 64 : index
    %swap3A_72 = tpu.vector_load %arg14[%swap3A_71] {strides = array<i32>} : memref<112xf32, #tpu.memory_space<vmem>>, vector<16xf32>,
    tpu.vector_store %arg14[%swap3A_71], %gather3A_70 {strides = array<i32>} : memref<112xf32, #tpu.memory_space<vmem>>, vector<16xf32>,
    %gather3A_73 = tpu.vector_load_idx %arg13[%get3A_69] : memref<112xf32, #tpu.memory_space<vmem>>[vector<16xi32>], vector<16xf32>,
    %swap3A_74 = arith.constant 64 : index
    %swap3A_75 = tpu.vector_load %arg15[%swap3A_74] {strides = array<i32>} : memref<112xf32, #tpu.memory_space<vmem>>, vector<16xf32>,
    tpu.vector_store %arg15[%swap3A_74], %gather3A_73 {strides = array<i32>} : memref<112xf32, #tpu.memory_space<vmem>>, vector<16xf32>,
    %get3A_76 = arith.constant 80 : index
    %get3A_77 = tpu.vector_load %arg11[%get3A_76] {strides = array<i32>} : memref<112xi32, #tpu.memory_space<vmem>>, vector<16xi32>,
    %gather3A_78 = tpu.vector_load_idx %arg12[%get3A_77] : memref<112xf32, #tpu.memory_space<vmem>>[vector<16xi32>], vector<16xf32>,
    %swap3A_79 = arith.constant 80 : index
    %swap3A_80 = tpu.vector_load %arg14[%swap3A_79] {strides = array<i32>} : memref<112xf32, #tpu.memory_space<vmem>>, vector<16xf32>,
    tpu.vector_store %arg14[%swap3A_79], %gather3A_78 {strides = array<i32>} : memref<112xf32, #tpu.memory_space<vmem>>, vector<16xf32>,
    %gather3A_81 = tpu.vector_load_idx %arg13[%get3A_77] : memref<112xf32, #tpu.memory_space<vmem>>[vector<16xi32>], vector<16xf32>,
    %swap3A_82 = arith.constant 80 : index
    %swap3A_83 = tpu.vector_load %arg15[%swap3A_82] {strides = array<i32>} : memref<112xf32, #tpu.memory_space<vmem>>, vector<16xf32>,
    tpu.vector_store %arg15[%swap3A_82], %gather3A_81 {strides = array<i32>} : memref<112xf32, #tpu.memory_space<vmem>>, vector<16xf32>,
    %get3A_84 = arith.constant 96 : index
    %get3A_85 = tpu.vector_load %arg11[%get3A_84] {strides = array<i32>} : memref<112xi32, #tpu.memory_space<vmem>>, vector<16xi32>,
    %gather3A_86 = tpu.vector_load_idx %arg12[%get3A_85] : memref<112xf32, #tpu.memory_space<vmem>>[vector<16xi32>], vector<16xf32>,
    %swap3A_87 = arith.constant 96 : index
    %swap3A_88 = tpu.vector_load %arg14[%swap3A_87] {strides = array<i32>} : memref<112xf32, #tpu.memory_space<vmem>>, vector<16xf32>,
    tpu.vector_store %arg14[%swap3A_87], %gather3A_86 {strides = array<i32>} : memref<112xf32, #tpu.memory_space<vmem>>, vector<16xf32>,
    %gather3A_89 = tpu.vector_load_idx %arg13[%get3A_85] : memref<112xf32, #tpu.memory_space<vmem>>[vector<16xi32>], vector<16xf32>,
    %swap3A_90 = arith.constant 96 : index
    %swap3A_91 = tpu.vector_load %arg15[%swap3A_90] {strides = array<i32>} : memref<112xf32, #tpu.memory_space<vmem>>, vector<16xf32>,
    tpu.vector_store %arg15[%swap3A_90], %gather3A_89 {strides = array<i32>} : memref<112xf32, #tpu.memory_space<vmem>>, vector<16xf32>,
    %dma_wait3A_92 = tpu.memref_slice %arg2[%multiple_of3A] : memref<100000xi32, #tpu.memory_space<hbm>> -> memref<3120xi32, #tpu.memory_space<hbm>>
    %dma_wait3A_93 = tpu.memref_slice %arg2[%multiple_of3A] : memref<100000xi32, #tpu.memory_space<hbm>> -> memref<3120xi32, #tpu.memory_space<hbm>>
    tpu.wait_dma2 semaphore(%arg20 : memref<!tpu.dma_semaphore, #tpu.memory_space<semaphore_mem>>) src(%dma_wait3A_93 : memref<3120xi32, #tpu.memory_space<hbm>>) dst(%arg8 : memref<3120xi32, #tpu.memory_space<vmem>>)
    %dma_wait3A_94 = tpu.memref_slice %arg3[%multiple_of3A] : memref<100000xf32, #tpu.memory_space<hbm>> -> memref<3120xf32, #tpu.memory_space<hbm>>
    %dma_wait3A_95 = tpu.memref_slice %arg3[%multiple_of3A] : memref<100000xf32, #tpu.memory_space<hbm>> -> memref<3120xf32, #tpu.memory_space<hbm>>
    tpu.wait_dma2 semaphore(%arg20 : memref<!tpu.dma_semaphore, #tpu.memory_space<semaphore_mem>>) src(%dma_wait3A_95 : memref<3120xf32, #tpu.memory_space<hbm>>) dst(%arg9 : memref<3120xf32, #tpu.memory_space<vmem>>)
    %scan3A = arith.constant 0 : i32
    %scan3A_96 = arith.constant 195 : i32
    %scan3A_97 = arith.addi %scan3A, %scan3A_96 : i32
    %scan3A_98 = arith.constant 13 : i32
    scf.for %scan3A_107 = %scan3A to %scan3A_97 step %scan3A_98  : i32 {
      %mul3A_108 = arith.constant 1 : i32
      %mul3A_109 = arith.muli %scan3A_107, %mul3A_108 : i32
      %add3A_110 = arith.constant 0 : i32
      %add3A_111 = arith.addi %add3A_110, %mul3A_109 : i32
      %mul3A_112 = arith.constant 16 : i32
      %mul3A_113 = arith.muli %add3A_111, %mul3A_112 : i32
      %get3A_114 = arith.index_cast %mul3A_113 : i32 to index
      %get3A_115 = tpu.vector_load %arg8[%get3A_114] {strides = array<i32>} : memref<3120xi32, #tpu.memory_space<vmem>>, vector<16xi32>,
      %get3A_116 = arith.index_cast %mul3A_113 : i32 to index
      %get3A_117 = tpu.vector_load %arg9[%get3A_116] {strides = array<i32>} : memref<3120xf32, #tpu.memory_space<vmem>>, vector<16xf32>,
      %gather3A_118 = tpu.vector_load_idx %arg14[%get3A_115] : memref<112xf32, #tpu.memory_space<vmem>>[vector<16xi32>], vector<16xf32>,
      %mul3A_119 = arith.mulf %get3A_117, %gather3A_118 : vector<16xf32>
      %gather3A_120 = tpu.vector_load_idx %arg15[%get3A_115] : memref<112xf32, #tpu.memory_space<vmem>>[vector<16xi32>], vector<16xf32>,
      %add3A_121 = arith.addf %mul3A_119, %gather3A_120 : vector<16xf32>
      %swap3A_122 = arith.index_cast %mul3A_113 : i32 to index
      %swap3A_123 = tpu.vector_load %arg10[%swap3A_122] {strides = array<i32>} : memref<3120xf32, #tpu.memory_space<vmem>>, vector<16xf32>,
      tpu.vector_store %arg10[%swap3A_122], %add3A_121 {strides = array<i32>} : memref<3120xf32, #tpu.memory_space<vmem>>, vector<16xf32>,
      %scan3A_124 = arith.constant 1 : i32
      %scan3A_125 = arith.addi %scan3A_107, %scan3A_124 : i32
      %mul3A_126 = arith.constant 1 : i32
      %mul3A_127 = arith.muli %scan3A_125, %mul3A_126 : i32
      %add3A_128 = arith.constant 0 : i32
      %add3A_129 = arith.addi %add3A_128, %mul3A_127 : i32
      %mul3A_130 = arith.constant 16 : i32
      %mul3A_131 = arith.muli %add3A_129, %mul3A_130 : i32
      %get3A_132 = arith.index_cast %mul3A_131 : i32 to index
      %get3A_133 = tpu.vector_load %arg8[%get3A_132] {strides = array<i32>} : memref<3120xi32, #tpu.memory_space<vmem>>, vector<16xi32>,
      %get3A_134 = arith.index_cast %mul3A_131 : i32 to index
      %get3A_135 = tpu.vector_load %arg9[%get3A_134] {strides = array<i32>} : memref<3120xf32, #tpu.memory_space<vmem>>, vector<16xf32>,
      %gather3A_136 = tpu.vector_load_idx %arg14[%get3A_133] : memref<112xf32, #tpu.memory_space<vmem>>[vector<16xi32>], vector<16xf32>,
      %mul3A_137 = arith.mulf %get3A_135, %gather3A_136 : vector<16xf32>
      %gather3A_138 = tpu.vector_load_idx %arg15[%get3A_133] : memref<112xf32, #tpu.memory_space<vmem>>[vector<16xi32>], vector<16xf32>,
      %add3A_139 = arith.addf %mul3A_137, %gather3A_138 : vector<16xf32>
      %swap3A_140 = arith.index_cast %mul3A_131 : i32 to index
      %swap3A_141 = tpu.vector_load %arg10[%swap3A_140] {strides = array<i32>} : memref<3120xf32, #tpu.memory_space<vmem>>, vector<16xf32>,
      tpu.vector_store %arg10[%swap3A_140], %add3A_139 {strides = array<i32>} : memref<3120xf32, #tpu.memory_space<vmem>>, vector<16xf32>,
      %scan3A_142 = arith.constant 2 : i32
      %scan3A_143 = arith.addi %scan3A_107, %scan3A_142 : i32
      %mul3A_144 = arith.constant 1 : i32
      %mul3A_145 = arith.muli %scan3A_143, %mul3A_144 : i32
      %add3A_146 = arith.constant 0 : i32
      %add3A_147 = arith.addi %add3A_146, %mul3A_145 : i32
      %mul3A_148 = arith.constant 16 : i32
      %mul3A_149 = arith.muli %add3A_147, %mul3A_148 : i32
      %get3A_150 = arith.index_cast %mul3A_149 : i32 to index
      %get3A_151 = tpu.vector_load %arg8[%get3A_150] {strides = array<i32>} : memref<3120xi32, #tpu.memory_space<vmem>>, vector<16xi32>,
      %get3A_152 = arith.index_cast %mul3A_149 : i32 to index
      %get3A_153 = tpu.vector_load %arg9[%get3A_152] {strides = array<i32>} : memref<3120xf32, #tpu.memory_space<vmem>>, vector<16xf32>,
      %gather3A_154 = tpu.vector_load_idx %arg14[%get3A_151] : memref<112xf32, #tpu.memory_space<vmem>>[vector<16xi32>], vector<16xf32>,
      %mul3A_155 = arith.mulf %get3A_153, %gather3A_154 : vector<16xf32>
      %gather3A_156 = tpu.vector_load_idx %arg15[%get3A_151] : memref<112xf32, #tpu.memory_space<vmem>>[vector<16xi32>], vector<16xf32>,
      %add3A_157 = arith.addf %mul3A_155, %gather3A_156 : vector<16xf32>
      %swap3A_158 = arith.index_cast %mul3A_149 : i32 to index
      %swap3A_159 = tpu.vector_load %arg10[%swap3A_158] {strides = array<i32>} : memref<3120xf32, #tpu.memory_space<vmem>>, vector<16xf32>,
      tpu.vector_store %arg10[%swap3A_158], %add3A_157 {strides = array<i32>} : memref<3120xf32, #tpu.memory_space<vmem>>, vector<16xf32>,
      %scan3A_160 = arith.constant 3 : i32
      %scan3A_161 = arith.addi %scan3A_107, %scan3A_160 : i32
      %mul3A_162 = arith.constant 1 : i32
      %mul3A_163 = arith.muli %scan3A_161, %mul3A_162 : i32
      %add3A_164 = arith.constant 0 : i32
      %add3A_165 = arith.addi %add3A_164, %mul3A_163 : i32
      %mul3A_166 = arith.constant 16 : i32
      %mul3A_167 = arith.muli %add3A_165, %mul3A_166 : i32
      %get3A_168 = arith.index_cast %mul3A_167 : i32 to index
      %get3A_169 = tpu.vector_load %arg8[%get3A_168] {strides = array<i32>} : memref<3120xi32, #tpu.memory_space<vmem>>, vector<16xi32>,
      %get3A_170 = arith.index_cast %mul3A_167 : i32 to index
      %get3A_171 = tpu.vector_load %arg9[%get3A_170] {strides = array<i32>} : memref<3120xf32, #tpu.memory_space<vmem>>, vector<16xf32>,
      %gather3A_172 = tpu.vector_load_idx %arg14[%get3A_169] : memref<112xf32, #tpu.memory_space<vmem>>[vector<16xi32>], vector<16xf32>,
      %mul3A_173 = arith.mulf %get3A_171, %gather3A_172 : vector<16xf32>
      %gather3A_174 = tpu.vector_load_idx %arg15[%get3A_169] : memref<112xf32, #tpu.memory_space<vmem>>[vector<16xi32>], vector<16xf32>,
      %add3A_175 = arith.addf %mul3A_173, %gather3A_174 : vector<16xf32>
      %swap3A_176 = arith.index_cast %mul3A_167 : i32 to index
      %swap3A_177 = tpu.vector_load %arg10[%swap3A_176] {strides = array<i32>} : memref<3120xf32, #tpu.memory_space<vmem>>, vector<16xf32>,
      tpu.vector_store %arg10[%swap3A_176], %add3A_175 {strides = array<i32>} : memref<3120xf32, #tpu.memory_space<vmem>>, vector<16xf32>,
      %scan3A_178 = arith.constant 4 : i32
      %scan3A_179 = arith.addi %scan3A_107, %scan3A_178 : i32
      %mul3A_180 = arith.constant 1 : i32
      %mul3A_181 = arith.muli %scan3A_179, %mul3A_180 : i32
      %add3A_182 = arith.constant 0 : i32
      %add3A_183 = arith.addi %add3A_182, %mul3A_181 : i32
      %mul3A_184 = arith.constant 16 : i32
      %mul3A_185 = arith.muli %add3A_183, %mul3A_184 : i32
      %get3A_186 = arith.index_cast %mul3A_185 : i32 to index
      %get3A_187 = tpu.vector_load %arg8[%get3A_186] {strides = array<i32>} : memref<3120xi32, #tpu.memory_space<vmem>>, vector<16xi32>,
      %get3A_188 = arith.index_cast %mul3A_185 : i32 to index
      %get3A_189 = tpu.vector_load %arg9[%get3A_188] {strides = array<i32>} : memref<3120xf32, #tpu.memory_space<vmem>>, vector<16xf32>,
      %gather3A_190 = tpu.vector_load_idx %arg14[%get3A_187] : memref<112xf32, #tpu.memory_space<vmem>>[vector<16xi32>], vector<16xf32>,
      %mul3A_191 = arith.mulf %get3A_189, %gather3A_190 : vector<16xf32>
      %gather3A_192 = tpu.vector_load_idx %arg15[%get3A_187] : memref<112xf32, #tpu.memory_space<vmem>>[vector<16xi32>], vector<16xf32>,
      %add3A_193 = arith.addf %mul3A_191, %gather3A_192 : vector<16xf32>
      %swap3A_194 = arith.index_cast %mul3A_185 : i32 to index
      %swap3A_195 = tpu.vector_load %arg10[%swap3A_194] {strides = array<i32>} : memref<3120xf32, #tpu.memory_space<vmem>>, vector<16xf32>,
      tpu.vector_store %arg10[%swap3A_194], %add3A_193 {strides = array<i32>} : memref<3120xf32, #tpu.memory_space<vmem>>, vector<16xf32>,
      %scan3A_196 = arith.constant 5 : i32
      %scan3A_197 = arith.addi %scan3A_107, %scan3A_196 : i32
      %mul3A_198 = arith.constant 1 : i32
      %mul3A_199 = arith.muli %scan3A_197, %mul3A_198 : i32
      %add3A_200 = arith.constant 0 : i32
      %add3A_201 = arith.addi %add3A_200, %mul3A_199 : i32
      %mul3A_202 = arith.constant 16 : i32
      %mul3A_203 = arith.muli %add3A_201, %mul3A_202 : i32
      %get3A_204 = arith.index_cast %mul3A_203 : i32 to index
      %get3A_205 = tpu.vector_load %arg8[%get3A_204] {strides = array<i32>} : memref<3120xi32, #tpu.memory_space<vmem>>, vector<16xi32>,
      %get3A_206 = arith.index_cast %mul3A_203 : i32 to index
      %get3A_207 = tpu.vector_load %arg9[%get3A_206] {strides = array<i32>} : memref<3120xf32, #tpu.memory_space<vmem>>, vector<16xf32>,
      %gather3A_208 = tpu.vector_load_idx %arg14[%get3A_205] : memref<112xf32, #tpu.memory_space<vmem>>[vector<16xi32>], vector<16xf32>,
      %mul3A_209 = arith.mulf %get3A_207, %gather3A_208 : vector<16xf32>
      %gather3A_210 = tpu.vector_load_idx %arg15[%get3A_205] : memref<112xf32, #tpu.memory_space<vmem>>[vector<16xi32>], vector<16xf32>,
      %add3A_211 = arith.addf %mul3A_209, %gather3A_210 : vector<16xf32>
      %swap3A_212 = arith.index_cast %mul3A_203 : i32 to index
      %swap3A_213 = tpu.vector_load %arg10[%swap3A_212] {strides = array<i32>} : memref<3120xf32, #tpu.memory_space<vmem>>, vector<16xf32>,
      tpu.vector_store %arg10[%swap3A_212], %add3A_211 {strides = array<i32>} : memref<3120xf32, #tpu.memory_space<vmem>>, vector<16xf32>,
      %scan3A_214 = arith.constant 6 : i32
      %scan3A_215 = arith.addi %scan3A_107, %scan3A_214 : i32
      %mul3A_216 = arith.constant 1 : i32
      %mul3A_217 = arith.muli %scan3A_215, %mul3A_216 : i32
      %add3A_218 = arith.constant 0 : i32
      %add3A_219 = arith.addi %add3A_218, %mul3A_217 : i32
      %mul3A_220 = arith.constant 16 : i32
      %mul3A_221 = arith.muli %add3A_219, %mul3A_220 : i32
      %get3A_222 = arith.index_cast %mul3A_221 : i32 to index
      %get3A_223 = tpu.vector_load %arg8[%get3A_222] {strides = array<i32>} : memref<3120xi32, #tpu.memory_space<vmem>>, vector<16xi32>,
      %get3A_224 = arith.index_cast %mul3A_221 : i32 to index
      %get3A_225 = tpu.vector_load %arg9[%get3A_224] {strides = array<i32>} : memref<3120xf32, #tpu.memory_space<vmem>>, vector<16xf32>,
      %gather3A_226 = tpu.vector_load_idx %arg14[%get3A_223] : memref<112xf32, #tpu.memory_space<vmem>>[vector<16xi32>], vector<16xf32>,
      %mul3A_227 = arith.mulf %get3A_225, %gather3A_226 : vector<16xf32>
      %gather3A_228 = tpu.vector_load_idx %arg15[%get3A_223] : memref<112xf32, #tpu.memory_space<vmem>>[vector<16xi32>], vector<16xf32>,
      %add3A_229 = arith.addf %mul3A_227, %gather3A_228 : vector<16xf32>
      %swap3A_230 = arith.index_cast %mul3A_221 : i32 to index
      %swap3A_231 = tpu.vector_load %arg10[%swap3A_230] {strides = array<i32>} : memref<3120xf32, #tpu.memory_space<vmem>>, vector<16xf32>,
      tpu.vector_store %arg10[%swap3A_230], %add3A_229 {strides = array<i32>} : memref<3120xf32, #tpu.memory_space<vmem>>, vector<16xf32>,
      %scan3A_232 = arith.constant 7 : i32
      %scan3A_233 = arith.addi %scan3A_107, %scan3A_232 : i32
      %mul3A_234 = arith.constant 1 : i32
      %mul3A_235 = arith.muli %scan3A_233, %mul3A_234 : i32
      %add3A_236 = arith.constant 0 : i32
      %add3A_237 = arith.addi %add3A_236, %mul3A_235 : i32
      %mul3A_238 = arith.constant 16 : i32
      %mul3A_239 = arith.muli %add3A_237, %mul3A_238 : i32
      %get3A_240 = arith.index_cast %mul3A_239 : i32 to index
      %get3A_241 = tpu.vector_load %arg8[%get3A_240] {strides = array<i32>} : memref<3120xi32, #tpu.memory_space<vmem>>, vector<16xi32>,
      %get3A_242 = arith.index_cast %mul3A_239 : i32 to index
      %get3A_243 = tpu.vector_load %arg9[%get3A_242] {strides = array<i32>} : memref<3120xf32, #tpu.memory_space<vmem>>, vector<16xf32>,
      %gather3A_244 = tpu.vector_load_idx %arg14[%get3A_241] : memref<112xf32, #tpu.memory_space<vmem>>[vector<16xi32>], vector<16xf32>,
      %mul3A_245 = arith.mulf %get3A_243, %gather3A_244 : vector<16xf32>
      %gather3A_246 = tpu.vector_load_idx %arg15[%get3A_241] : memref<112xf32, #tpu.memory_space<vmem>>[vector<16xi32>], vector<16xf32>,
      %add3A_247 = arith.addf %mul3A_245, %gather3A_246 : vector<16xf32>
      %swap3A_248 = arith.index_cast %mul3A_239 : i32 to index
      %swap3A_249 = tpu.vector_load %arg10[%swap3A_248] {strides = array<i32>} : memref<3120xf32, #tpu.memory_space<vmem>>, vector<16xf32>,
      tpu.vector_store %arg10[%swap3A_248], %add3A_247 {strides = array<i32>} : memref<3120xf32, #tpu.memory_space<vmem>>, vector<16xf32>,
      %scan3A_250 = arith.constant 8 : i32
      %scan3A_251 = arith.addi %scan3A_107, %scan3A_250 : i32
      %mul3A_252 = arith.constant 1 : i32
      %mul3A_253 = arith.muli %scan3A_251, %mul3A_252 : i32
      %add3A_254 = arith.constant 0 : i32
      %add3A_255 = arith.addi %add3A_254, %mul3A_253 : i32
      %mul3A_256 = arith.constant 16 : i32
      %mul3A_257 = arith.muli %add3A_255, %mul3A_256 : i32
      %get3A_258 = arith.index_cast %mul3A_257 : i32 to index
      %get3A_259 = tpu.vector_load %arg8[%get3A_258] {strides = array<i32>} : memref<3120xi32, #tpu.memory_space<vmem>>, vector<16xi32>,
      %get3A_260 = arith.index_cast %mul3A_257 : i32 to index
      %get3A_261 = tpu.vector_load %arg9[%get3A_260] {strides = array<i32>} : memref<3120xf32, #tpu.memory_space<vmem>>, vector<16xf32>,
      %gather3A_262 = tpu.vector_load_idx %arg14[%get3A_259] : memref<112xf32, #tpu.memory_space<vmem>>[vector<16xi32>], vector<16xf32>,
      %mul3A_263 = arith.mulf %get3A_261, %gather3A_262 : vector<16xf32>
      %gather3A_264 = tpu.vector_load_idx %arg15[%get3A_259] : memref<112xf32, #tpu.memory_space<vmem>>[vector<16xi32>], vector<16xf32>,
      %add3A_265 = arith.addf %mul3A_263, %gather3A_264 : vector<16xf32>
      %swap3A_266 = arith.index_cast %mul3A_257 : i32 to index
      %swap3A_267 = tpu.vector_load %arg10[%swap3A_266] {strides = array<i32>} : memref<3120xf32, #tpu.memory_space<vmem>>, vector<16xf32>,
      tpu.vector_store %arg10[%swap3A_266], %add3A_265 {strides = array<i32>} : memref<3120xf32, #tpu.memory_space<vmem>>, vector<16xf32>,
      %scan3A_268 = arith.constant 9 : i32
      %scan3A_269 = arith.addi %scan3A_107, %scan3A_268 : i32
      %mul3A_270 = arith.constant 1 : i32
      %mul3A_271 = arith.muli %scan3A_269, %mul3A_270 : i32
      %add3A_272 = arith.constant 0 : i32
      %add3A_273 = arith.addi %add3A_272, %mul3A_271 : i32
      %mul3A_274 = arith.constant 16 : i32
      %mul3A_275 = arith.muli %add3A_273, %mul3A_274 : i32
      %get3A_276 = arith.index_cast %mul3A_275 : i32 to index
      %get3A_277 = tpu.vector_load %arg8[%get3A_276] {strides = array<i32>} : memref<3120xi32, #tpu.memory_space<vmem>>, vector<16xi32>,
      %get3A_278 = arith.index_cast %mul3A_275 : i32 to index
      %get3A_279 = tpu.vector_load %arg9[%get3A_278] {strides = array<i32>} : memref<3120xf32, #tpu.memory_space<vmem>>, vector<16xf32>,
      %gather3A_280 = tpu.vector_load_idx %arg14[%get3A_277] : memref<112xf32, #tpu.memory_space<vmem>>[vector<16xi32>], vector<16xf32>,
      %mul3A_281 = arith.mulf %get3A_279, %gather3A_280 : vector<16xf32>
      %gather3A_282 = tpu.vector_load_idx %arg15[%get3A_277] : memref<112xf32, #tpu.memory_space<vmem>>[vector<16xi32>], vector<16xf32>,
      %add3A_283 = arith.addf %mul3A_281, %gather3A_282 : vector<16xf32>
      %swap3A_284 = arith.index_cast %mul3A_275 : i32 to index
      %swap3A_285 = tpu.vector_load %arg10[%swap3A_284] {strides = array<i32>} : memref<3120xf32, #tpu.memory_space<vmem>>, vector<16xf32>,
      tpu.vector_store %arg10[%swap3A_284], %add3A_283 {strides = array<i32>} : memref<3120xf32, #tpu.memory_space<vmem>>, vector<16xf32>,
      %scan3A_286 = arith.constant 10 : i32
      %scan3A_287 = arith.addi %scan3A_107, %scan3A_286 : i32
      %mul3A_288 = arith.constant 1 : i32
      %mul3A_289 = arith.muli %scan3A_287, %mul3A_288 : i32
      %add3A_290 = arith.constant 0 : i32
      %add3A_291 = arith.addi %add3A_290, %mul3A_289 : i32
      %mul3A_292 = arith.constant 16 : i32
      %mul3A_293 = arith.muli %add3A_291, %mul3A_292 : i32
      %get3A_294 = arith.index_cast %mul3A_293 : i32 to index
      %get3A_295 = tpu.vector_load %arg8[%get3A_294] {strides = array<i32>} : memref<3120xi32, #tpu.memory_space<vmem>>, vector<16xi32>,
      %get3A_296 = arith.index_cast %mul3A_293 : i32 to index
      %get3A_297 = tpu.vector_load %arg9[%get3A_296] {strides = array<i32>} : memref<3120xf32, #tpu.memory_space<vmem>>, vector<16xf32>,
      %gather3A_298 = tpu.vector_load_idx %arg14[%get3A_295] : memref<112xf32, #tpu.memory_space<vmem>>[vector<16xi32>], vector<16xf32>,
      %mul3A_299 = arith.mulf %get3A_297, %gather3A_298 : vector<16xf32>
      %gather3A_300 = tpu.vector_load_idx %arg15[%get3A_295] : memref<112xf32, #tpu.memory_space<vmem>>[vector<16xi32>], vector<16xf32>,
      %add3A_301 = arith.addf %mul3A_299, %gather3A_300 : vector<16xf32>
      %swap3A_302 = arith.index_cast %mul3A_293 : i32 to index
      %swap3A_303 = tpu.vector_load %arg10[%swap3A_302] {strides = array<i32>} : memref<3120xf32, #tpu.memory_space<vmem>>, vector<16xf32>,
      tpu.vector_store %arg10[%swap3A_302], %add3A_301 {strides = array<i32>} : memref<3120xf32, #tpu.memory_space<vmem>>, vector<16xf32>,
      %scan3A_304 = arith.constant 11 : i32
      %scan3A_305 = arith.addi %scan3A_107, %scan3A_304 : i32
      %mul3A_306 = arith.constant 1 : i32
      %mul3A_307 = arith.muli %scan3A_305, %mul3A_306 : i32
      %add3A_308 = arith.constant 0 : i32
      %add3A_309 = arith.addi %add3A_308, %mul3A_307 : i32
      %mul3A_310 = arith.constant 16 : i32
      %mul3A_311 = arith.muli %add3A_309, %mul3A_310 : i32
      %get3A_312 = arith.index_cast %mul3A_311 : i32 to index
      %get3A_313 = tpu.vector_load %arg8[%get3A_312] {strides = array<i32>} : memref<3120xi32, #tpu.memory_space<vmem>>, vector<16xi32>,
      %get3A_314 = arith.index_cast %mul3A_311 : i32 to index
      %get3A_315 = tpu.vector_load %arg9[%get3A_314] {strides = array<i32>} : memref<3120xf32, #tpu.memory_space<vmem>>, vector<16xf32>,
      %gather3A_316 = tpu.vector_load_idx %arg14[%get3A_313] : memref<112xf32, #tpu.memory_space<vmem>>[vector<16xi32>], vector<16xf32>,
      %mul3A_317 = arith.mulf %get3A_315, %gather3A_316 : vector<16xf32>
      %gather3A_318 = tpu.vector_load_idx %arg15[%get3A_313] : memref<112xf32, #tpu.memory_space<vmem>>[vector<16xi32>], vector<16xf32>,
      %add3A_319 = arith.addf %mul3A_317, %gather3A_318 : vector<16xf32>
      %swap3A_320 = arith.index_cast %mul3A_311 : i32 to index
      %swap3A_321 = tpu.vector_load %arg10[%swap3A_320] {strides = array<i32>} : memref<3120xf32, #tpu.memory_space<vmem>>, vector<16xf32>,
      tpu.vector_store %arg10[%swap3A_320], %add3A_319 {strides = array<i32>} : memref<3120xf32, #tpu.memory_space<vmem>>, vector<16xf32>,
      %scan3A_322 = arith.constant 12 : i32
      %scan3A_323 = arith.addi %scan3A_107, %scan3A_322 : i32
      %mul3A_324 = arith.constant 1 : i32
      %mul3A_325 = arith.muli %scan3A_323, %mul3A_324 : i32
      %add3A_326 = arith.constant 0 : i32
      %add3A_327 = arith.addi %add3A_326, %mul3A_325 : i32
      %mul3A_328 = arith.constant 16 : i32
      %mul3A_329 = arith.muli %add3A_327, %mul3A_328 : i32
      %get3A_330 = arith.index_cast %mul3A_329 : i32 to index
      %get3A_331 = tpu.vector_load %arg8[%get3A_330] {strides = array<i32>} : memref<3120xi32, #tpu.memory_space<vmem>>, vector<16xi32>,
      %get3A_332 = arith.index_cast %mul3A_329 : i32 to index
      %get3A_333 = tpu.vector_load %arg9[%get3A_332] {strides = array<i32>} : memref<3120xf32, #tpu.memory_space<vmem>>, vector<16xf32>,
      %gather3A_334 = tpu.vector_load_idx %arg14[%get3A_331] : memref<112xf32, #tpu.memory_space<vmem>>[vector<16xi32>], vector<16xf32>,
      %mul3A_335 = arith.mulf %get3A_333, %gather3A_334 : vector<16xf32>
      %gather3A_336 = tpu.vector_load_idx %arg15[%get3A_331] : memref<112xf32, #tpu.memory_space<vmem>>[vector<16xi32>], vector<16xf32>,
      %add3A_337 = arith.addf %mul3A_335, %gather3A_336 : vector<16xf32>
      %swap3A_338 = arith.index_cast %mul3A_329 : i32 to index
      %swap3A_339 = tpu.vector_load %arg10[%swap3A_338] {strides = array<i32>} : memref<3120xf32, #tpu.memory_space<vmem>>, vector<16xf32>,
      tpu.vector_store %arg10[%swap3A_338], %add3A_337 {strides = array<i32>} : memref<3120xf32, #tpu.memory_space<vmem>>, vector<16xf32>,
    }
    %scan3A_99 = arith.constant 195 : i32
    %dma_start3A_100 = tpu.memref_slice %arg7[%multiple_of3A] : memref<100000xf32, #tpu.memory_space<hbm>> -> memref<3120xf32, #tpu.memory_space<hbm>>
    %dma_start3A_101 = tpu.memref_slice %arg7[%multiple_of3A] : memref<100000xf32, #tpu.memory_space<hbm>> -> memref<3120xf32, #tpu.memory_space<hbm>>
    tpu.enqueue_dma source(%arg10 : memref<3120xf32, #tpu.memory_space<vmem>>) target(%dma_start3A_101 : memref<3120xf32, #tpu.memory_space<hbm>>) target_semaphore(%arg22 : memref<!tpu.dma_semaphore, #tpu.memory_space<semaphore_mem>>)
    %convert_element_type3A_102 = arith.extui %lt3A_3 : i1 to i32
    %cond3A_103 = arith.constant 0 : i32
    %cond3A_104 = arith.cmpi ne, %convert_element_type3A_102, %cond3A_103 : i32
    scf.if %cond3A_104 {
      %dma_wait3A_107 = tpu.memref_slice %arg2[%multiple_of3A_8] : memref<100000xi32, #tpu.memory_space<hbm>> -> memref<16xi32, #tpu.memory_space<hbm>>
      %dma_wait3A_108 = tpu.memref_slice %arg2[%multiple_of3A_8] : memref<100000xi32, #tpu.memory_space<hbm>> -> memref<16xi32, #tpu.memory_space<hbm>>
      tpu.wait_dma2 semaphore(%arg21 : memref<!tpu.dma_semaphore, #tpu.memory_space<semaphore_mem>>) src(%dma_wait3A_108 : memref<16xi32, #tpu.memory_space<hbm>>) dst(%arg16 : memref<16xi32, #tpu.memory_space<vmem>>)
      %dma_wait3A_109 = tpu.memref_slice %arg3[%multiple_of3A_8] : memref<100000xf32, #tpu.memory_space<hbm>> -> memref<16xf32, #tpu.memory_space<hbm>>
      %dma_wait3A_110 = tpu.memref_slice %arg3[%multiple_of3A_8] : memref<100000xf32, #tpu.memory_space<hbm>> -> memref<16xf32, #tpu.memory_space<hbm>>
      tpu.wait_dma2 semaphore(%arg21 : memref<!tpu.dma_semaphore, #tpu.memory_space<semaphore_mem>>) src(%dma_wait3A_110 : memref<16xf32, #tpu.memory_space<hbm>>) dst(%arg17 : memref<16xf32, #tpu.memory_space<vmem>>)
      %get3A_111 = arith.constant 0 : index
      %get3A_112 = tpu.vector_load %arg16[%get3A_111] {strides = array<i32>} : memref<16xi32, #tpu.memory_space<vmem>>, vector<16xi32>,
      %get3A_113 = arith.constant 0 : index
      %get3A_114 = tpu.vector_load %arg17[%get3A_113] {strides = array<i32>} : memref<16xf32, #tpu.memory_space<vmem>>, vector<16xf32>,
      %gather3A_115 = tpu.vector_load_idx %arg14[%get3A_112] : memref<112xf32, #tpu.memory_space<vmem>>[vector<16xi32>], vector<16xf32>,
      %mul3A_116 = arith.mulf %get3A_114, %gather3A_115 : vector<16xf32>
      %gather3A_117 = tpu.vector_load_idx %arg15[%get3A_112] : memref<112xf32, #tpu.memory_space<vmem>>[vector<16xi32>], vector<16xf32>,
      %add3A_118 = arith.addf %mul3A_116, %gather3A_117 : vector<16xf32>
      %swap3A_119 = arith.constant 0 : index
      %swap3A_120 = tpu.vector_load %arg18[%swap3A_119] {strides = array<i32>} : memref<16xf32, #tpu.memory_space<vmem>>, vector<16xf32>,
      tpu.vector_store %arg18[%swap3A_119], %add3A_118 {strides = array<i32>} : memref<16xf32, #tpu.memory_space<vmem>>, vector<16xf32>,
      "tpu.region"() ({
        %run_scoped3A = tpu.sem_alloc : memref<!tpu.dma_semaphore, #tpu.memory_space<semaphore_mem>>
        %dma_start3A_121 = tpu.memref_slice %arg7[%multiple_of3A_8] : memref<100000xf32, #tpu.memory_space<hbm>> -> memref<16xf32, #tpu.memory_space<hbm>>
        %dma_start3A_122 = tpu.memref_slice %arg7[%multiple_of3A_8] : memref<100000xf32, #tpu.memory_space<hbm>> -> memref<16xf32, #tpu.memory_space<hbm>>
        tpu.enqueue_dma source(%arg18 : memref<16xf32, #tpu.memory_space<vmem>>) target(%dma_start3A_122 : memref<16xf32, #tpu.memory_space<hbm>>) target_semaphore(%run_scoped3A : memref<!tpu.dma_semaphore, #tpu.memory_space<semaphore_mem>>)
        %dma_wait3A_123 = tpu.memref_slice %arg7[%multiple_of3A_8] : memref<100000xf32, #tpu.memory_space<hbm>> -> memref<16xf32, #tpu.memory_space<hbm>>
        %dma_wait3A_124 = tpu.memref_slice %arg7[%multiple_of3A_8] : memref<100000xf32, #tpu.memory_space<hbm>> -> memref<16xf32, #tpu.memory_space<hbm>>
        tpu.wait_dma2 semaphore(%run_scoped3A : memref<!tpu.dma_semaphore, #tpu.memory_space<semaphore_mem>>) src(%arg18 : memref<16xf32, #tpu.memory_space<vmem>>) dst(%dma_wait3A_124 : memref<16xf32, #tpu.memory_space<hbm>>)
        tpu.yield
      }) : () -> ()
    } else {
    }
    %dma_wait3A_105 = tpu.memref_slice %arg7[%multiple_of3A] : memref<100000xf32, #tpu.memory_space<hbm>> -> memref<3120xf32, #tpu.memory_space<hbm>>
    %dma_wait3A_106 = tpu.memref_slice %arg7[%multiple_of3A] : memref<100000xf32, #tpu.memory_space<hbm>> -> memref<3120xf32, #tpu.memory_space<hbm>>
    tpu.wait_dma2 semaphore(%arg22 : memref<!tpu.dma_semaphore, #tpu.memory_space<semaphore_mem>>) src(%arg10 : memref<3120xf32, #tpu.memory_space<vmem>>) dst(%dma_wait3A_106 : memref<3120xf32, #tpu.memory_space<hbm>>)
    return
  }
}

</mosaic_0001>

<sc_bundles>
// kernel: kernel.3.cloned.1.call-start
scs
__scs_entry_jumppad:
0x0: {  	(pc) =	sbr.rel $0x88, $3  }
0x1: {  	(tag) =	ssettag $0x0;
	lr =	simm.s32 $0x1  }
0x2: {  	[smem:$0x3F9C] =	sst lr;
	_ =	strace $0xD0000000  }
0x3: {  	_ = 	snop  }
0x4: {  	_ = 	snop  }
0x5: {  	_ = 	snop  }
0x6: {  	_ = 	snop  }
0x7: {  	_ = 	snop  }
__scs_overlays_trampoline_lowered:
0x8: {  	[smem:$0x3FAB] =	sst s0  }
0x9: {  	[smem:$0x3FAC] =	sst s1  }
0xa: {  	[smem:$0x3FAD] =	sst s2  }
0xb: {  	[smem:$0x3FAE] =	sst s3  }
0xc: {  	[smem:$0x3FAF] =	sst s4  }
0xd: {  	[smem:$0x3FB0] =	sst s5  }
0xe: {  	[smem:$0x3FB1] =	sst s6  }
0xf: {  	[smem:$0x3FB2] =	sst s7  }
0x10: {  	[smem:$0x3FB3] =	sst s8  }
0x11: {  	[smem:$0x3FB4] =	sst s9;
	s0 =	simm.s32 @!p0 $0x0  }
0x12: {  	s1 =	sld [smem:$0x3F9A];
	s0 =	simm.s32 @p0 $0x1  }
0x13: {  	[smem:$0x3FB5] =	sst s0;
	s0 =	simm.s32 @!p1 $0x0  }
0x14: {  	s2 =	sld [smem:$0x3F99];
	s0 =	simm.s32 @p1 $0x1  }
0x15: {  	[smem:$0x3FB6] =	sst s0;
	s0 =	simm.s32 @!p2 $0x0  }
0x16: {  	s3 =	sld [smem:$0x3FDB];
	s0 =	simm.s32 @p2 $0x1  }
0x17: {  	s4 =	simm.s32 $0x1BF5;
	[smem:$0x3FB8] =	sst s0  }
0x18: {  	s0 =	sld [smem:$0x3F9B];
	_ =	swait.ge [sflag:s4], $0x0  }
0x19: {  	s7 =	sld [smem:$0x3F9C]  }
0x1a: {  	s8 =	sadd.s32 $0xFFFFE003, lr  }
0x1b: {  	s9 =	sadd.s32 $0xFFFFFEF7, lr;
	s5 =	simm.s32 $0xFFFFFFFF;
	p2 =	slt.u32 s8, $0xFFFFF086  }
0x1c: {  	p1 =	slt.u32 s9, $0xF7A;
	s5 =	simm.s32 @!p2 $0x0  }
0x1d: {  	s5 =	simm.s32 @p1 $0x1;
	p0 =	seq.s32 s7, s2  }
0x1e: {  	s7 =	smul.u32 @!p0 $0xF7A, s2;
	p2 =	seq.s32 @!p0 s5, $0x0  }
0x1f: {  	s9 =	smul.u32 $0xF7A, s1;
	s8 =	simm.s32 @!p0 $0x1BF5;
	p2 =	por !p2, p0  }
0x20: {  	[sflag:s8] =	ssyncset.s32 @!p0 $0xFFFFF086;
	s6 =	sadd.s32 @!p0 s3, s7;
	s7 =	simm.s32 @!p0 $0x108  }
0x21: {  	s3 =	sadd.s32 s3, s9;
	s6 =	sadd.s32 @!p0 $0x88, s6;
	s7 =	simm.s32 @p2 $0x1082  }
0x22: {  	[simem:s7], [sflag:s8] =	dma.local @!p0 [hbm:s6], $0xF7A  }
0x23: {  	s9 =	sor.u32 $0xD0000000, s2;
	s6 =	simm.s32 $0x108;
	_ =	swait.ge @!p0 [sflag:s8], $0x0  }
0x24: {  	s3 =	sadd.s32 $0x88, s3;
	s6 =	simm.s32 @!p1 $0x1082;
	[sflag:s4] =	ssyncset.s32 $0xFFFFF086  }
0x25: {  	[simem:s6], [sflag:s4] =	dma.local [hbm:s3], $0xF7A  }
0x26: {  	[smem:$0x3F9C] =	sst s1;
	(tag) =	ssettag s2;
	_ =	strace s9  }
0x27: {  	s1 =	sld [smem:$0x3FAC]  }
0x28: {  	s2 =	sld [smem:$0x3FAD]  }
0x29: {  	s4 =	sld [smem:$0x3FAF]  }
0x2a: {  	p0 =	seq.s32 s5, $0x0;
	s5 =	sld [smem:$0x3FB0]  }
0x2b: {  	s6 =	sld [smem:$0x3FB1]  }
0x2c: {  	s7 =	sld [smem:$0x3FB2]  }
0x2d: {  	s3 =	simm.s32 $0x108;
	s8 =	sld [smem:$0x3FB3]  }
0x2e: {  	s3 =	simm.s32 @!p0 $0x1082;
	s9 =	sld [smem:$0x3FB4]  }
0x2f: {  	lr =	sadd.s32 s0, s3;
	s0 =	sld [smem:$0x3FAB]  }
0x30: {  	s3 =	sld [smem:$0x3FAE]  }
0x31: {  	[smem:$0x3FB7] =	sst s10  }
0x32: {  	s10 =	sld [smem:$0x3FB5];
	_ =	sdelay $0x3  }
0x33: {  	p0 =	seq.s32 s10, $0x1;
	s10 =	sld [smem:$0x3FB7];
	_ =	sdelay $0x3  }
0x34: {  	[smem:$0x3FB7] =	sst s10  }
0x35: {  	s10 =	sld [smem:$0x3FB6];
	_ =	sdelay $0x3  }
0x36: {  	p1 =	seq.s32 s10, $0x1;
	s10 =	sld [smem:$0x3FB7];
	_ =	sdelay $0x3  }
0x37: {  	[smem:$0x3FB7] =	sst s10  }
0x38: {  	s10 =	sld [smem:$0x3FB8]  }
0x39: {  	_ = 	snop;
	(pc) =	sbr.ind lr, $3  }
0x3a: {  	_ = 	snop  }
0x3b: {  	_ = 	snop  }
0x3c: {  	p2 =	seq.s32 s10, $0x1;
	s10 =	sld [smem:$0x3FB7]  }
0x3d: {  	_ =	shalt  }
0x3e: {  	_ =	shalt  }
0x3f: {  	_ =	shalt  }
0x40: {  	_ =	shalt  }
0x41: {  	_ =	shalt  }
0x42: {  	_ =	shalt  }
0x43: {  	_ =	shalt  }
0x44: {  	_ =	shalt  }
0x45: {  	_ =	shalt  }
0x46: {  	_ =	shalt  }
0x47: {  	_ =	shalt  }
0x48: {  	_ =	shalt  }
0x49: {  	_ =	shalt  }
0x4a: {  	_ =	shalt  }
0x4b: {  	_ =	shalt  }
0x4c: {  	_ =	shalt  }
0x4d: {  	_ =	shalt  }
0x4e: {  	_ =	shalt  }
0x4f: {  	_ =	shalt  }
0x50: {  	_ =	shalt  }
0x51: {  	_ =	shalt  }
0x52: {  	_ =	shalt  }
0x53: {  	_ =	shalt  }
0x54: {  	_ =	shalt  }
0x55: {  	_ =	shalt  }
0x56: {  	_ =	shalt  }
0x57: {  	_ =	shalt  }
0x58: {  	_ =	shalt  }
0x59: {  	_ =	shalt  }
0x5a: {  	_ =	shalt  }
0x5b: {  	_ =	shalt  }
0x5c: {  	_ =	shalt  }
0x5d: {  	_ =	shalt  }
0x5e: {  	_ =	shalt  }
0x5f: {  	_ =	shalt  }
0x60: {  	_ =	shalt  }
0x61: {  	_ =	shalt  }
0x62: {  	_ =	shalt  }
0x63: {  	_ =	shalt  }
0x64: {  	_ =	shalt  }
0x65: {  	_ =	shalt  }
0x66: {  	_ =	shalt  }
0x67: {  	_ =	shalt  }
0x68: {  	_ =	shalt  }
0x69: {  	_ =	shalt  }
0x6a: {  	_ =	shalt  }
0x6b: {  	_ =	shalt  }
0x6c: {  	_ =	shalt  }
0x6d: {  	_ =	shalt  }
0x6e: {  	_ =	shalt  }
0x6f: {  	_ =	shalt  }
0x70: {  	_ =	shalt  }
0x71: {  	_ =	shalt  }
0x72: {  	_ =	shalt  }
0x73: {  	_ =	shalt  }
0x74: {  	_ =	shalt  }
0x75: {  	_ =	shalt  }
0x76: {  	_ =	shalt  }
0x77: {  	_ =	shalt  }
0x78: {  	_ =	shalt  }
0x79: {  	_ =	shalt  }
0x7a: {  	_ =	shalt  }
0x7b: {  	_ =	shalt  }
0x7c: {  	_ =	shalt  }
0x7d: {  	_ =	shalt  }
0x7e: {  	_ =	shalt  }
0x7f: {  	_ =	shalt  }
0x80: {  	_ =	shalt  }
0x81: {  	_ =	shalt  }
0x82: {  	_ =	shalt  }
0x83: {  	_ =	shalt  }
0x84: {  	_ =	shalt  }
0x85: {  	_ =	shalt  }
0x86: {  	_ =	shalt  }
0x87: {  	_ =	shalt  }
.Lfunc_end0:
.L_simem_size_0:
called_computation_lowered:
.L_overlay_start_0:
0x88: {  	s2 =	sld [smem:$0x3FD9]  }
0x89: {  	s3 =	sld [smem:$0x3FFE];
	_ =	sdelay $0x1  }
0x8a: {  	s1 =	srdreg.scid  }
0x8b: {  	s0 =	sand.u32 $0x1, s1  }
0x8c: {  	s18 =	sshll.u32 s0, $0xA;
	s2 =	sadd.s32 s3, s2  }
0x8d: {  	s2 =	sadd.s32 s2, s18  }
0x8e: {  	[smem:$0x3FC3] =	sst s2  }
0x8f: {  	_ = 	snop  }
0x90: {  	s2 =	sld [smem:$0x3FC9]  }
0x91: {  	s19 =	sld [smem:$0x3FC8]  }
0x92: {  	s4 =	sld [smem:$0x3FC7]  }
0x93: {  	s5 =	sld [smem:$0x3FC6]  }
0x94: {  	s6 =	sld [smem:$0x3FC5]  }
0x95: {  	s7 =	sld [smem:$0x3FD0];
	(tm) =	ssettm $0x1  }
0x96: {  	s8 =	sld [smem:$0x3FFB];
	_ =	sdelay $0x3  }
0x97: {  	_ =	strace s8  }
0x98: {  	s8 =	sld [smem:$0x3FFC];
	_ =	sdelay $0x3  }
0x99: {  	_ =	strace s8  }
0x9a: {  	s8 =	sld [smem:$0x3FFD];
	_ =	sdelay $0x3  }
0x9b: {  	_ =	strace s8  }
0x9c: {  	_ =	strace $0x8FFFFFFF  }
0x9d: {  	s20 =	sld [smem:$0x3FDB];
	_ =	sdelay $0x1  }
0x9e: {  	s9 =	simm.s32 $_scs_section_size  }
0x9f: {  	s10 =	simm.s32 $_size__tile_overlayer_lowered;
	s11 =	simm.s32 $_tile_overlayer_lowered  }
0xa0: {  	s23 =	simm.s32 $0x1BFF;
	s22 =	sshll.u32 s11, $0x1;
	s8 =	sadd.s32 s9, s20  }
0xa1: {  	s12 =	simm.s32 $0x0;
	s21 =	sshll.u32 s10, $0x1;
	s10 =	sadd.s32 s22, s8  }
0xa2: {  	[timem:s12], [sflag:s23] =	dma.local [hbm:s10], s21  }
0xa3: {  	_ =	swait.ge [sflag:s23], s21  }
0xa4: {  	s9 =	ssub.s32 $0x0, s21;
	[sflag:s23] =	ssyncset.done $0x0  }
0xa5: {  	[sflag:s23] =	ssyncadd.s32 s9;
	_ =	sdelay $0x1  }
0xa6: {  	s24 =	simm.s32 $0x1B8B  }
0xa7: {  	_ =	swait.ge [sflag:s24], $0x1  }
0xa8: {  	[sflag:s24] =	ssyncset.done $0x0  }
0xa9: {  	s25 =	simm.s32 $0x1B8E;
	[sflag:s24] =	ssyncadd.s32 $0xFFFFFFFF  }
0xaa: {  	s26 =	simm.s32 $execute0_lowered;
	[smem:$0x3FD2] =	sst s25  }
0xab: {  	s9 =	sshll.u32 s26, $0x1;
	_ =	strace $0x80000046;
	[dreg:$0x1] =	wrdreg $0xFFFFFFFF  }
0xac: {  	s28 =	simm.s32 $_size_execute0_lowered;
	s8 =	sadd.s32 s8, s9;
	[dreg:$0x0] =	wrdreg $0x0  }
0xad: {  	s9 =	sshll.u32 s28, $0x1;
	[dreg:$0x2] =	wrdreg s8  }
0xae: {  	[dreg:$0x3] =	wrdreg s9  }
0xaf: {  	[dreg:$0x4] =	wrdreg $0xC0  }
0xb0: {  	_ =	task [dreg:s12], $0x5FFFF  }
0xb1: {  	[dreg:$0x1] =	wrdreg $0xFFFFFFFF  }
0xb2: {  	[dreg:$0x0] =	wrdreg $0x60  }
0xb3: {  	[dreg:$0x2] =	wrdreg s2  }
0xb4: {  	[dreg:$0x3] =	wrdreg s19  }
0xb5: {  	[dreg:$0x4] =	wrdreg s4  }
0xb6: {  	[dreg:$0x5] =	wrdreg s5  }
0xb7: {  	[dreg:$0x6] =	wrdreg s6  }
0xb8: {  	[dreg:$0x7] =	wrdreg s7  }
0xb9: {  	[dreg:$0x8] =	wrdreg $0x9  }
0xba: {  	_ =	task.clear_ibuf [dreg:s12], $0x9FFFF;
	_ =	strace $0x90000046  }
0xbb: {  	s29 =	simm.s32 $0x9;
	_ =	strace $0x80000048  }
0xbc: {  	_ =	swait.ge [sflag:s29], $0x1  }
0xbd: {  	[sflag:s29] =	ssyncadd.s32 $0xFFFFFFFF  }
0xbe: {  	_ =	strace $0x90000048  }
0xbf: {  	_ =	sfence  }
0xc0: {  	s30 =	sld [smem:$0x0];
	_ =	sdelay $0x2  }
0xc1: {  	s31 =	sshll.u32 s1, $0xD;
	s1 =	sshrl.u32 s1, $0x2  }
0xc2: {  	s3 =	sand.u32 $0x4000, s31;
	s1 =	sadd.s32 s1, s30  }
0xc3: {  	s0 =	sor.u32 s3, s0;
	s1 =	sshll.u32 s1, $0x11  }
0xc4: {  	s0 =	sor.u32 s1, s0  }
0xc5: {  	s0 =	sadd.s32 $0x8F2B, s0  }
0xc6: {  	[sflag:s0] =	ssyncadd.remote.s32 $0x1  }
0xc7: {  	_ =	sfence.sel $0xFFFF  }
0xc8: {  	[dreg:$0x0] =	wrdreg $0xFFFFFFFF;
	(pc) =	sbr.abs _section_cstart, $3  }
0xc9: {  	[dreg:$0x1] =	wrdreg $0xFFFFFFFF  }
0xca: {  	_ =	task.clear_ibuf [dreg:s12], $0x2FFFF;
	_ =	strace $0x9FFFFFFF  }
0xcb: {  	(tm) =	ssettm $0x7FFFFFFF  }
tec
execute0_lowered:
.L_overlay_start_1:
0x0: {  	(tag) =	ssettag $0x1  }
0x1: {  	s8 =	rddreg [dreg:$0x0]  }
0x2: {  	s9 =	rddreg [dreg:$0x1]  }
0x3: {  	s0 =	rddreg [dreg:$0x2]  }
0x4: {  	s1 =	rddreg [dreg:$0x3]  }
0x5: {  	s4 =	rddreg [dreg:$0x4]  }
0x6: {  	s2 =	srdreg.scid;
	s11 =	rddreg [dreg:$0x5]  }
0x7: {  	s3 =	stileid.u32;
	s5 =	simm.s32 $0x0;
	s15 =	simm.s32 $0x2680  }
0x8: {  	s16 =	simm.s32 $0xC80;
	s17 =	simm.s32 $0x1;
	s18 =	simm.s32 $0x2  }
0x9: {  	s19 =	simm.s32 $0x2700;
	s20 =	simm.s32 $0x2780;
	s21 =	simm.s32 $0x1900  }
0xa: {  	s22 =	simm.s32 $0x4;
	s6 =	sand.u32 $0x1, s2;
	s2 =	rddreg [dreg:$0x6]  }
0xb: {  	s23 =	simm.s32 $0x0;
	[smem:$0x7FF] =	sst s5;
	s7 =	sshll.u32 s6, $0x4  }
0xc: {  	s6 =	ssub.s32 $0x2, s6;
	_ =	strace $0x80000047;
	s13 =	sor.u32 s3, s7  }
0xd: {  	s31 =	sshrl.u32 s6, $0x1;
	s10 =	smul.u32 $0x186, s13;
	s12 =	sshll.u32 s13, $0x1  }
0xe: {  	s14 =	ssub.s32 s6, s31;
	p0 =	sgt.u32 s13, $0x9;
	s13 =	simm.s32 $0x2580  }
0xf: {  	s12 =	sor.u32 $0x30C0, s12;
	s6 =	sadd.s32 s8, s10;
	s7 =	sadd.s32 s9, s10  }
0x10: {  	s8 =	sadd.s32 s8, s12;
	s9 =	sadd.s32 s9, s12;
	s10 =	sadd.s32 s11, s10  }
0x11: {  	v0 =	vimm.s32 $0x0;
	s11 =	sadd.s32 s11, s12;
	s12 =	smax.u32 s14, $0x1;
	s14 =	simm.s32 $0x2600  }
.LBB2_1:
0x12: {  	[tilespmem:$0x25E0] =	vst v0  }
0x13: {  	[tilespmem:s13], [sflag:$0x1] =	stream.linear.gather [hbm4b:s4+s5], $0x64, $0x38;
	[tilespmem:$0x2980] =	vst v63  }
0x14: {  	_ = 	snop  }
0x15: {  	[tilespmem:s14], [sflag:$0x1] =	stream.linear.gather [hbm4b:s0+s5], $0x63, $0x38;
	[tilespmem:$0x2980] =	vst v63  }
0x16: {  	_ = 	snop  }
0x17: {  	[tilespmem:s15], [sflag:$0x1] =	stream.linear.gather [hbm4b:s1+s5], $0x63, $0x38;
	[tilespmem:$0x2980] =	vst v63  }
0x18: {  	_ = 	snop  }
0x19: {  	[tilespmem:s5], [sflag:$0x2] =	stream.linear.gather [hbm4b:s6+s5], $0xC30, $0x38;
	[tilespmem:$0x2980] =	vst v63  }
0x1a: {  	_ = 	snop  }
0x1b: {  	[tilespmem:s16], [sflag:$0x2] =	stream.linear.gather [hbm4b:s7+s5], $0xC30, $0x38;
	[tilespmem:$0x2980] =	vst v63  }
0x1c: {  	s24 =	simm.s32 @!p0 $0x0;
	s25 =	simm.s32 @!p0 $0x2800  }
0x1d: {  	[tilespmem:s25], [sflag:$0x3] =	stream.linear.gather @!p0 [hbm4b:s8+s24], $0x10, $0x38;
	[tilespmem:$0x2980] =	vst v63  }
0x1e: {  	s25 =	simm.s32 @!p0 $0x2880  }
0x1f: {  	[tilespmem:s25], [sflag:$0x3] =	stream.linear.gather @!p0 [hbm4b:s9+s24], $0x10, $0x38;
	[tilespmem:$0x2980] =	vst v63  }
0x20: {  	_ =	swait.ge [sflag:s17], $0x64  }
0x21: {  	[sflag:s17] =	ssyncset.done $0x0  }
0x22: {  	[sflag:s17] =	ssyncadd.s32 $0xFFFFFF9C  }
0x23: {  	_ =	swait.ge [sflag:s17], $0x63  }
0x24: {  	[sflag:s17] =	ssyncset.done $0x0  }
0x25: {  	[sflag:s17] =	ssyncadd.s32 $0xFFFFFF9D  }
0x26: {  	_ =	swait.ge [sflag:s17], $0x63  }
0x27: {  	[sflag:s17] =	ssyncset.done $0x0  }
0x28: {  	[sflag:s17] =	ssyncadd.s32 $0xFFFFFF9D  }
0x29: {  	v1 =	vld [tilespmem:$0x2580];
	_ =	sdelay $0x7  }
0x2a: {  	v2 =	vld.idx.msk [tilespmem:v1+s14+$0x0], $0xffff;
	_ =	sdelay $0x3  }
0x2b: {  	v3 =	vld [tilespmem:$0x2590]  }
0x2c: {  	[tilespmem:$0x2700] =	vst v2  }
0x2d: {  	v1 =	vld.idx.msk [tilespmem:v1+s15+$0x0], $0xffff;
	_ =	sdelay $0x4  }
0x2e: {  	[tilespmem:$0x2780] =	vst v1  }
0x2f: {  	v1 =	vld.idx.msk [tilespmem:v3+s14+$0x0], $0xffff;
	_ =	sdelay $0x3  }
0x30: {  	v2 =	vld [tilespmem:$0x25A0]  }
0x31: {  	[tilespmem:$0x2710] =	vst v1  }
0x32: {  	v1 =	vld.idx.msk [tilespmem:v3+s15+$0x0], $0xffff;
	_ =	sdelay $0x4  }
0x33: {  	[tilespmem:$0x2790] =	vst v1  }
0x34: {  	v1 =	vld.idx.msk [tilespmem:v2+s14+$0x0], $0xffff;
	_ =	sdelay $0x3  }
0x35: {  	v3 =	vld [tilespmem:$0x25B0]  }
0x36: {  	[tilespmem:$0x2720] =	vst v1  }
0x37: {  	v1 =	vld.idx.msk [tilespmem:v2+s15+$0x0], $0xffff;
	_ =	sdelay $0x4  }
0x38: {  	[tilespmem:$0x27A0] =	vst v1  }
0x39: {  	v1 =	vld.idx.msk [tilespmem:v3+s14+$0x0], $0xffff;
	_ =	sdelay $0x3  }
0x3a: {  	v2 =	vld [tilespmem:$0x25C0]  }
0x3b: {  	[tilespmem:$0x2730] =	vst v1  }
0x3c: {  	v1 =	vld.idx.msk [tilespmem:v3+s15+$0x0], $0xffff;
	_ =	sdelay $0x4  }
0x3d: {  	[tilespmem:$0x27B0] =	vst v1  }
0x3e: {  	v1 =	vld.idx.msk [tilespmem:v2+s14+$0x0], $0xffff;
	_ =	sdelay $0x3  }
0x3f: {  	v3 =	vld [tilespmem:$0x25D0]  }
0x40: {  	[tilespmem:$0x2740] =	vst v1  }
0x41: {  	v1 =	vld.idx.msk [tilespmem:v2+s15+$0x0], $0xffff;
	_ =	sdelay $0x4  }
0x42: {  	[tilespmem:$0x27C0] =	vst v1  }
0x43: {  	v1 =	vld.idx.msk [tilespmem:v3+s14+$0x0], $0xffff;
	_ =	sdelay $0x3  }
0x44: {  	v2 =	vld [tilespmem:$0x25E0]  }
0x45: {  	[tilespmem:$0x2750] =	vst v1  }
0x46: {  	v1 =	vld.idx.msk [tilespmem:v3+s15+$0x0], $0xffff;
	_ =	sdelay $0x4  }
0x47: {  	[tilespmem:$0x27D0] =	vst v1  }
0x48: {  	v1 =	vld.idx.msk [tilespmem:v2+s14+$0x0], $0xffff;
	_ =	sdelay $0x4  }
0x49: {  	[tilespmem:$0x2760] =	vst v1  }
0x4a: {  	v1 =	vld.idx.msk [tilespmem:v2+s15+$0x0], $0xffff;
	_ =	sdelay $0x4  }
0x4b: {  	[tilespmem:$0x27E0] =	vst v1  }
0x4c: {  	_ =	swait.ge [sflag:s18], $0xC30  }
0x4d: {  	[sflag:s18] =	ssyncset.done $0x0  }
0x4e: {  	[sflag:s18] =	ssyncadd.s32 $0xFFFFF3D0  }
0x4f: {  	s26 =	simm.s32 $0xCE0;
	_ =	swait.ge [sflag:s18], $0xC30  }
0x50: {  	s28 =	simm.s32 $0x1960;
	s29 =	simm.s32 $0x0;
	[sflag:s18] =	ssyncset.done $0x0  }
0x51: {  	s24 =	simm.s32 $0xFFFFFFF3;
	s25 =	simm.s32 $0x60;
	[sflag:s18] =	ssyncadd.s32 $0xFFFFF3D0  }
.LBB2_2:
0x52: {  	v1 =	vld [tilespmem:s25+$0xFFFFFFA0];
	_ =	sdelay $0x6  }
0x53: {  	v2 =	vld [tilespmem:s26+$0xFFFFFFA0]  }
0x54: {  	v3 =	vld.idx.msk [tilespmem:v1+s19+$0x0], $0xffff;
	_ =	sdelay $0x1  }
0x55: {  	v1 =	vld.idx.msk [tilespmem:v1+s20+$0x0], $0xffff;
	_ =	sdelay $0x2  }
0x56: {  	v2 =	vmul.f32 v3, v2;
	_ =	sdelay $0x1  }
0x57: {  	v1 =	vadd.f32 v1, v2;
	_ =	sdelay $0x1  }
0x58: {  	[tilespmem:s28+$0xFFFFFFA0] =	vst v1  }
0x59: {  	v1 =	vld [tilespmem:s25+$0xFFFFFFB0];
	_ =	sdelay $0x6  }
0x5a: {  	v2 =	vld [tilespmem:s26+$0xFFFFFFB0]  }
0x5b: {  	v3 =	vld.idx.msk [tilespmem:v1+s19+$0x0], $0xffff;
	_ =	sdelay $0x1  }
0x5c: {  	v1 =	vld.idx.msk [tilespmem:v1+s20+$0x0], $0xffff;
	_ =	sdelay $0x2  }
0x5d: {  	v2 =	vmul.f32 v3, v2;
	_ =	sdelay $0x1  }
0x5e: {  	v1 =	vadd.f32 v1, v2;
	_ =	sdelay $0x1  }
0x5f: {  	[tilespmem:s28+$0xFFFFFFB0] =	vst v1  }
0x60: {  	v1 =	vld [tilespmem:s25+$0xFFFFFFC0];
	_ =	sdelay $0x6  }
0x61: {  	v2 =	vld [tilespmem:s26+$0xFFFFFFC0]  }
0x62: {  	v3 =	vld.idx.msk [tilespmem:v1+s19+$0x0], $0xffff;
	_ =	sdelay $0x1  }
0x63: {  	v1 =	vld.idx.msk [tilespmem:v1+s20+$0x0], $0xffff;
	_ =	sdelay $0x2  }
0x64: {  	v2 =	vmul.f32 v3, v2;
	_ =	sdelay $0x1  }
0x65: {  	v1 =	vadd.f32 v1, v2;
	_ =	sdelay $0x1  }
0x66: {  	[tilespmem:s28+$0xFFFFFFC0] =	vst v1  }
0x67: {  	v1 =	vld [tilespmem:s25+$0xFFFFFFD0];
	_ =	sdelay $0x6  }
0x68: {  	v2 =	vld [tilespmem:s26+$0xFFFFFFD0]  }
0x69: {  	v3 =	vld.idx.msk [tilespmem:v1+s19+$0x0], $0xffff;
	_ =	sdelay $0x1  }
0x6a: {  	v1 =	vld.idx.msk [tilespmem:v1+s20+$0x0], $0xffff;
	_ =	sdelay $0x2  }
0x6b: {  	v2 =	vmul.f32 v3, v2;
	_ =	sdelay $0x1  }
0x6c: {  	v1 =	vadd.f32 v1, v2;
	_ =	sdelay $0x1  }
0x6d: {  	[tilespmem:s28+$0xFFFFFFD0] =	vst v1  }
0x6e: {  	v1 =	vld [tilespmem:s25+$0xFFFFFFE0];
	_ =	sdelay $0x6  }
0x6f: {  	v2 =	vld [tilespmem:s26+$0xFFFFFFE0]  }
0x70: {  	v3 =	vld.idx.msk [tilespmem:v1+s19+$0x0], $0xffff;
	_ =	sdelay $0x1  }
0x71: {  	v1 =	vld.idx.msk [tilespmem:v1+s20+$0x0], $0xffff;
	_ =	sdelay $0x2  }
0x72: {  	v2 =	vmul.f32 v3, v2;
	_ =	sdelay $0x1  }
0x73: {  	v1 =	vadd.f32 v1, v2;
	_ =	sdelay $0x1  }
0x74: {  	[tilespmem:s28+$0xFFFFFFE0] =	vst v1  }
0x75: {  	v1 =	vld [tilespmem:s25+$0xFFFFFFF0];
	_ =	sdelay $0x6  }
0x76: {  	v2 =	vld [tilespmem:s26+$0xFFFFFFF0]  }
0x77: {  	v3 =	vld.idx.msk [tilespmem:v1+s19+$0x0], $0xffff;
	_ =	sdelay $0x1  }
0x78: {  	v1 =	vld.idx.msk [tilespmem:v1+s20+$0x0], $0xffff;
	_ =	sdelay $0x2  }
0x79: {  	v2 =	vmul.f32 v3, v2;
	_ =	sdelay $0x1  }
0x7a: {  	v1 =	vadd.f32 v1, v2;
	_ =	sdelay $0x1  }
0x7b: {  	[tilespmem:s28+$0xFFFFFFF0] =	vst v1  }
0x7c: {  	v1 =	vld [tilespmem:s25+$0x0];
	_ =	sdelay $0x6  }
0x7d: {  	v2 =	vld [tilespmem:s26+$0x0]  }
0x7e: {  	v3 =	vld.idx.msk [tilespmem:v1+s19+$0x0], $0xffff;
	_ =	sdelay $0x1  }
0x7f: {  	v1 =	vld.idx.msk [tilespmem:v1+s20+$0x0], $0xffff;
	_ =	sdelay $0x2  }
0x80: {  	v2 =	vmul.f32 v3, v2;
	_ =	sdelay $0x1  }
0x81: {  	v1 =	vadd.f32 v1, v2;
	_ =	sdelay $0x1  }
0x82: {  	[tilespmem:s28+$0x0] =	vst v1  }
0x83: {  	v1 =	vld [tilespmem:s25+$0x10];
	_ =	sdelay $0x6  }
0x84: {  	v2 =	vld [tilespmem:s26+$0x10]  }
0x85: {  	v3 =	vld.idx.msk [tilespmem:v1+s19+$0x0], $0xffff;
	_ =	sdelay $0x1  }
0x86: {  	v1 =	vld.idx.msk [tilespmem:v1+s20+$0x0], $0xffff;
	_ =	sdelay $0x2  }
0x87: {  	v2 =	vmul.f32 v3, v2;
	_ =	sdelay $0x1  }
0x88: {  	v1 =	vadd.f32 v1, v2;
	_ =	sdelay $0x1  }
0x89: {  	s30 =	sand.u32 $0xFF0, s29;
	[tilespmem:s28+$0x10] =	vst v1  }
0x8a: {  	v1 =	vld [tilespmem:s30+$0x80];
	_ =	sdelay $0x6  }
0x8b: {  	v2 =	vld [tilespmem:s30+$0xD00]  }
0x8c: {  	v3 =	vld.idx.msk [tilespmem:v1+s19+$0x0], $0xffff;
	_ =	sdelay $0x1  }
0x8d: {  	v1 =	vld.idx.msk [tilespmem:v1+s20+$0x0], $0xffff;
	_ =	sdelay $0x2  }
0x8e: {  	v2 =	vmul.f32 v3, v2;
	_ =	sdelay $0x1  }
0x8f: {  	v1 =	vadd.f32 v1, v2;
	_ =	sdelay $0x1  }
0x90: {  	[tilespmem:s30+$0x1980] =	vst v1  }
0x91: {  	v1 =	vld [tilespmem:s25+$0x30];
	_ =	sdelay $0x6  }
0x92: {  	v2 =	vld [tilespmem:s26+$0x30]  }
0x93: {  	v3 =	vld.idx.msk [tilespmem:v1+s19+$0x0], $0xffff;
	_ =	sdelay $0x1  }
0x94: {  	v1 =	vld.idx.msk [tilespmem:v1+s20+$0x0], $0xffff;
	_ =	sdelay $0x2  }
0x95: {  	v2 =	vmul.f32 v3, v2;
	_ =	sdelay $0x1  }
0x96: {  	v1 =	vadd.f32 v1, v2;
	_ =	sdelay $0x1  }
0x97: {  	[tilespmem:s28+$0x30] =	vst v1  }
0x98: {  	v1 =	vld [tilespmem:s25+$0x40];
	_ =	sdelay $0x6  }
0x99: {  	v2 =	vld [tilespmem:s26+$0x40]  }
0x9a: {  	v3 =	vld.idx.msk [tilespmem:v1+s19+$0x0], $0xffff;
	_ =	sdelay $0x1  }
0x9b: {  	v1 =	vld.idx.msk [tilespmem:v1+s20+$0x0], $0xffff;
	_ =	sdelay $0x2  }
0x9c: {  	v2 =	vmul.f32 v3, v2;
	_ =	sdelay $0x1  }
0x9d: {  	v1 =	vadd.f32 v1, v2;
	_ =	sdelay $0x1  }
0x9e: {  	[tilespmem:s28+$0x40] =	vst v1  }
0x9f: {  	v1 =	vld [tilespmem:s25+$0x50];
	_ =	sdelay $0x6  }
0xa0: {  	v2 =	vld [tilespmem:s26+$0x50]  }
0xa1: {  	v3 =	vld.idx.msk [tilespmem:v1+s19+$0x0], $0xffff;
	_ =	sdelay $0x1  }
0xa2: {  	v1 =	vld.idx.msk [tilespmem:v1+s20+$0x0], $0xffff;
	_ =	sdelay $0x2  }
0xa3: {  	v2 =	vmul.f32 v3, v2;
	_ =	sdelay $0x1  }
0xa4: {  	v1 =	vadd.f32 v1, v2;
	_ =	sdelay $0x1  }
0xa5: {  	[tilespmem:s28+$0x50] =	vst v1  }
0xa6: {  	v1 =	vld [tilespmem:s25+$0x60];
	_ =	sdelay $0x6  }
0xa7: {  	v2 =	vld [tilespmem:s26+$0x60]  }
0xa8: {  	v3 =	vld.idx.msk [tilespmem:v1+s19+$0x0], $0xffff;
	_ =	sdelay $0x1  }
0xa9: {  	v1 =	vld.idx.msk [tilespmem:v1+s20+$0x0], $0xffff  }
0xaa: {  	s24 =	sadd.s32 $0xD, s24  }
0xab: {  	p1 =	slt.u32 s24, $0xB6  }
.Ltmp0:
0xac: {  	v2 =	vmul.f32 v3, v2;
	(pc) =	sbr.rel @p1 .LBB2_2-.Ltmp0, $4  }
0xad: {  	_ = 	snop  }
0xae: {  	v1 =	vadd.f32 v1, v2  }
0xaf: {  	s29 =	sadd.s32 $0xD0, s29  }
0xb0: {  	s25 =	sadd.s32 $0xD0, s25;
	s26 =	sadd.s32 $0xD0, s26;
	[tilespmem:s28+$0x60] =	vst v1;
	s28 =	sadd.s32 $0xD0, s28  }
0xb1: {  	[hbm4b:s10+s5] =	stream.linear.scatter [tilespmem:s21], [sflag:$0x4], $0xC30, $0x38;
	[tilespmem:$0x2980] =	vst v63  }
0xb2: {  	s24 =	simm.s32 @!p0 $0x3  }
0xb3: {  	_ =	swait.ge @!p0 [sflag:s24], $0x10  }
0xb4: {  	[sflag:s24] =	ssyncset.done @!p0 $0x0  }
0xb5: {  	[sflag:s24] =	ssyncadd.s32 @!p0 $0xFFFFFFF0  }
0xb6: {  	_ =	swait.ge @!p0 [sflag:s24], $0x10  }
0xb7: {  	[sflag:s24] =	ssyncset.done @!p0 $0x0  }
0xb8: {  	[sflag:s24] =	ssyncadd.s32 @!p0 $0xFFFFFFF0  }
0xb9: {  	v1 =	vld @!p0 [tilespmem:$0x2800];
	_ =	sdelay $0x6  }
0xba: {  	s24 =	simm.s32 @!p0 $0x2700;
	v2 =	vld @!p0 [tilespmem:$0x2880]  }
0xbb: {  	v3 =	vld.idx.msk @!p0 [tilespmem:v1+s24+$0x0], $0xffff  }
0xbc: {  	s24 =	simm.s32 @!p0 $0x2780  }
0xbd: {  	v1 =	vld.idx.msk @!p0 [tilespmem:v1+s24+$0x0], $0xffff;
	_ =	sdelay $0x2  }
0xbe: {  	v2 =	vmul.f32 @!p0 v3, v2;
	_ =	sdelay $0x1  }
0xbf: {  	v1 =	vadd.f32 @!p0 v1, v2;
	_ =	sdelay $0x1  }
0xc0: {  	s25 =	simm.s32 @!p0 $0x2900;
	s24 =	simm.s32 @!p0 $0x0;
	[tilespmem:$0x2900] =	vst @!p0 v1  }
0xc1: {  	[hbm4b:s11+s24] =	stream.linear.scatter @!p0 [tilespmem:s25], [sflag:$0x5], $0x10, $0x38;
	[tilespmem:$0x2980] =	vst v63  }
0xc2: {  	s23 =	sadd.s32 $0x1, s23;
	s24 =	simm.s32 @!p0 $0x5  }
0xc3: {  	p1 =	sne.s32 s23, s12;
	_ =	swait.ge @!p0 [sflag:s24], $0x10  }
.Ltmp1:
0xc4: {  	[sflag:s24] =	ssyncset.done @!p0 $0x0;
	(pc) =	sbr.rel @p1 .LBB2_1-.Ltmp1, $4  }
0xc5: {  	[sflag:s24] =	ssyncadd.s32 @!p0 $0xFFFFFFF0  }
0xc6: {  	_ =	swait.ge [sflag:s22], $0xC30  }
0xc7: {  	[sflag:s22] =	ssyncset.done $0x0  }
0xc8: {  	[sflag:s22] =	ssyncadd.s32 $0xFFFFF3D0  }
0xc9: {  	_ =	sfence.sel $0x180000  }
0xca: {  	[bflag:$0x0] =	sbarrier.arrive $0xFFFF  }
0xcb: {  	p0 =	sne.s32 s3, $0x0;
	_ =	strace $0x90000047  }
0xcc: {  	s0 =	sadd.s32 @!p0 $0x100000, s2;
	[bflag:$0x2] =	sbarrier.arrive $0xFFFF  }
0xcd: {  	[sflag:s0] =	ssyncadd.tile.s32 @!p0 $0x1;
	_ =	shalt  }
.Lfunc_end2:
_tile_overlayer_lowered:
.L_overlay_start_2:
0xce: {  	(tag) =	ssettag $0x2  }
0xcf: {  	s0 =	rddreg [dreg:$0x0];
	s2 =	stileid.u32  }
0xd0: {  	s1 =	rddreg [dreg:$0x1];
	p0 =	sne.s32 s2, $0x0  }
0xd1: {  	s3 =	rddreg [dreg:$0x2];
	[bflag:$0x3] =	sbarrier.arrive $0xFFFF;
	s2 =	simm.s32 @!p0 $0x1C05  }
0xd2: {  	[timem:s3], [sflag:s2] =	dma.local @!p0 [hbm:s0], s1  }
0xd3: {  	s0 =	simm.s32 @!p0 $0x5  }
0xd4: {  	_ =	swait.ge @!p0 [sflag:s0], s1  }
0xd5: {  	s1 =	ssub.s32 @!p0 $0x0, s1;
	[sflag:s0] =	ssyncset.done @!p0 $0x0  }
0xd6: {  	[sflag:s0] =	ssyncadd.s32 @!p0 s1  }
0xd7: {  	[bflag:$0x3] =	sbarrier.arrive $0xFFFF  }
0xd8: {  	_ =	shalt  }

</sc_bundles>
